<compile_context>
chip_gen: v7x
topology: tpu7x:2x2x1
jax: 0.10.2.dev20260603
libtpu: 0.0.44.dev20260713+nightly
codegen_flags: <defaults>
</compile_context>

<pallas_src>
import functools

import jax
import jax.numpy as jnp
from jax import lax
from jax.experimental import pallas as pl
from jax.experimental.pallas import tpu as pltpu
from jax.experimental.pallas import tpu_sc as plsc

N_USERS = 1000000
N_ITEMS = 1000000
K = 32
BATCH = 16384

NC = 2
NS = 16
NW = NC * NS
B_PER_W = BATCH // NW
CHUNK = 128
N_CHUNKS = B_PER_W // CHUNK

_mesh = plsc.VectorSubcoreMesh(core_axis_name="c", subcore_axis_name="s")

_GATHER_DNUMS = lax.GatherDimensionNumbers(
    offset_dims=(), collapsed_slice_dims=(0,), start_index_map=(0,))


def _vperm(x, idx):
    return lax.gather(x, idx[:, None], _GATHER_DNUMS, slice_sizes=(1,),
                      mode=lax.GatherScatterMode.PROMISE_IN_BOUNDS)


@functools.partial(
    pl.kernel,
    out_type=jax.ShapeDtypeStruct((BATCH,), jnp.float32),
    mesh=_mesh,
    compiler_params=pltpu.CompilerParams(use_tc_tiling_on_sc=False),
    scratch_types=[
        pltpu.VMEM((N_CHUNKS, CHUNK), jnp.int32),
        pltpu.VMEM((N_CHUNKS, CHUNK), jnp.int32),
        pltpu.VMEM((B_PER_W, K), jnp.float32),
        pltpu.VMEM((B_PER_W, K), jnp.float32),
        pltpu.VMEM((B_PER_W,), jnp.float32),
        pltpu.SemaphoreType.DMA,
    ],
)
def _pmf_kernel(uidx_hbm, iidx_hbm, utab_hbm, itab_hbm, out_hbm,
                uidx_v, iidx_v, urows_v, irows_v, out_v, sem):
    wid = lax.axis_index("s") * NC + lax.axis_index("c")
    base = wid * B_PER_W

    for j in range(N_CHUNKS):
        pltpu.sync_copy(uidx_hbm.at[pl.ds(base + j * CHUNK, CHUNK)],
                        uidx_v.at[j])
        pltpu.sync_copy(iidx_hbm.at[pl.ds(base + j * CHUNK, CHUNK)],
                        iidx_v.at[j])

    copies = []
    for j in range(N_CHUNKS):
        copies.append(pltpu.async_copy(
            utab_hbm.at[uidx_v.at[j]],
            urows_v.at[pl.ds(j * CHUNK, CHUNK)], sem))
        copies.append(pltpu.async_copy(
            itab_hbm.at[iidx_v.at[j]],
            irows_v.at[pl.ds(j * CHUNK, CHUNK)], sem))
    for c in copies:
        c.wait()

    lane = lax.iota(jnp.int32, 16)
    perms = [lane ^ (1 << s) for s in range(4)]

    def lane_sum(x):
        for p in perms:
            x = x + _vperm(x, p)
        return x

    def grp_body(g, _):
        acc = jnp.zeros((16,), jnp.float32)
        for r in range(16):
            i = g * 16 + r
            s = lane_sum(
                urows_v[i, pl.ds(0, 16)] * irows_v[i, pl.ds(0, 16)]
                + urows_v[i, pl.ds(16, 16)] * irows_v[i, pl.ds(16, 16)])
            acc = jnp.where(lane == r, s, acc)
        out_v[pl.ds(g * 16, 16)] = acc
        return 0

    lax.fori_loop(0, B_PER_W // 16, grp_body, 0)

    pltpu.sync_copy(out_v, out_hbm.at[pl.ds(base, B_PER_W)])


def kernel(users_index, items_index, user_embeddings, item_embeddings):
    return _pmf_kernel(users_index.astype(jnp.int32),
                       items_index.astype(jnp.int32),
                       user_embeddings, item_embeddings)

# --- scband reference (transcript-rebuilt; emitter-appended) ---
"""Pipeline reference for scband-pmf-68676527063483 (READ-ONLY COPY).

The authoritative reference and input builder live on the scoring server;
editing this copy changes nothing except your own understanding.
"""

import jax, jax.numpy as jnp
import numpy as np

N_USERS = 1000000
N_ITEMS = 1000000
K = 32
BATCH = 16384

def setup_inputs(seed: int = 0) -> dict:
    key = jax.random.key(seed)
    k1, k2, k3, k4 = jax.random.split(key, 4)
    users_index = jax.random.randint(k1, (BATCH,), 0, N_USERS, dtype=jnp.int64 if jax.config.jax_enable_x64 else jnp.int32)
    items_index = jax.random.randint(k2, (BATCH,), 0, N_ITEMS, dtype=jnp.int64 if jax.config.jax_enable_x64 else jnp.int32)
    # learned parameters, initialized like 0.001 * rand
    user_embeddings = 0.001 * jax.random.uniform(k3, (N_USERS, K), dtype=jnp.float32)
    item_embeddings = 0.001 * jax.random.uniform(k4, (N_ITEMS, K), dtype=jnp.float32)
    return {
        "users_index": users_index,
        "items_index": items_index,
        "user_embeddings": user_embeddings,
        "item_embeddings": item_embeddings,
    }

def reference(users_index, items_index, user_embeddings, item_embeddings):
    # user_h1 = self.user_embeddings(users_index)
    user_h1 = jnp.take(user_embeddings, users_index, axis=0)
    # item_h1 = self.item_embeddings(items_index)
    item_h1 = jnp.take(item_embeddings, items_index, axis=0)
    # R_h = (user_h1 * item_h1).sum(1)
    R_h = (user_h1 * item_h1).sum(axis=1)
    return R_h

if __name__ == "__main__":
    import jax
    _d = setup_inputs()
    print(jax.jit(kernel)(*tuple(_d.values())))

</pallas_src>

<mosaic_0001>
#map = affine_map<(d0, d1) -> (0)>
#map1 = affine_map<(d0, d1) -> (0, 0)>
module attributes {stable_mosaic.version = 14 : i64} {
  func.func @_pmf_kernel(%arg0: i32, %arg1: i32, %arg2: memref<16384xi32, #tpu.memory_space<hbm>>, %arg3: memref<16384xi32, #tpu.memory_space<hbm>>, %arg4: memref<1000000x32xf32, #tpu.memory_space<hbm>>, %arg5: memref<1000000x32xf32, #tpu.memory_space<hbm>>, %arg6: memref<16384xf32, #tpu.memory_space<hbm>>, %arg7: memref<4x128xi32, #tpu.memory_space<vmem>>, %arg8: memref<4x128xi32, #tpu.memory_space<vmem>>, %arg9: memref<512x32xf32, #tpu.memory_space<vmem>>, %arg10: memref<512x32xf32, #tpu.memory_space<vmem>>, %arg11: memref<512xf32, #tpu.memory_space<vmem>>, %arg12: memref<!tpu.dma_semaphore, #tpu.memory_space<semaphore_mem>>) attributes {dimension_semantics = [#tpu.dimension_semantics<core_parallel>, #tpu.dimension_semantics<subcore_parallel>], iteration_bounds = array<i64: 2, 16>, scalar_prefetch = 0 : i64, scratch_operands = 6 : i64, tpu.core_type = #tpu.core_type<sc_vector_subcore>, window_params = [{transform_indices = #map}, {transform_indices = #map}, {transform_indices = #map1}, {transform_indices = #map1}, {transform_indices = #map}]} {
    %mul3A = arith.constant 2 : i32
    %mul3A_0 = arith.muli %arg1, %mul3A : i32
    %add3A = arith.addi %mul3A_0, %arg0 : i32
    %mul3A_1 = arith.constant 512 : i32
    %mul3A_2 = arith.muli %add3A, %mul3A_1 : i32
    %add3A_3 = arith.constant 0 : i32
    %add3A_4 = arith.addi %mul3A_2, %add3A_3 : i32
    %run_scoped3A = arith.constant 0 : i32
    "tpu.region"() ({
      %run_scoped3A_201 = tpu.sem_alloc : memref<!tpu.dma_semaphore, #tpu.memory_space<semaphore_mem>>
      %dma_start3A_202 = arith.constant 0 : i32
      %dma_start3A_203 = tpu.memref_slice %arg7[%run_scoped3A, %dma_start3A_202] : memref<4x128xi32, #tpu.memory_space<vmem>> -> memref<1x128xi32, #tpu.memory_space<vmem>>
      %dma_start3A_204 = tpu.memref_squeeze %dma_start3A_203 : memref<1x128xi32, #tpu.memory_space<vmem>> -> memref<128xi32, #tpu.memory_space<vmem>>
      %dma_start3A_205 = tpu.memref_slice %arg2[%add3A_4] : memref<16384xi32, #tpu.memory_space<hbm>> -> memref<128xi32, #tpu.memory_space<hbm>>
      %dma_start3A_206 = arith.constant 0 : i32
      %dma_start3A_207 = tpu.memref_slice %arg7[%run_scoped3A, %dma_start3A_206] : memref<4x128xi32, #tpu.memory_space<vmem>> -> memref<1x128xi32, #tpu.memory_space<vmem>>
      %dma_start3A_208 = tpu.memref_squeeze %dma_start3A_207 : memref<1x128xi32, #tpu.memory_space<vmem>> -> memref<128xi32, #tpu.memory_space<vmem>>
      %dma_start3A_209 = tpu.memref_slice %arg2[%add3A_4] : memref<16384xi32, #tpu.memory_space<hbm>> -> memref<128xi32, #tpu.memory_space<hbm>>
      tpu.enqueue_dma source(%dma_start3A_209 : memref<128xi32, #tpu.memory_space<hbm>>) target(%dma_start3A_208 : memref<128xi32, #tpu.memory_space<vmem>>) target_semaphore(%run_scoped3A_201 : memref<!tpu.dma_semaphore, #tpu.memory_space<semaphore_mem>>)
      %dma_wait3A_210 = arith.constant 0 : i32
      %dma_wait3A_211 = tpu.memref_slice %arg7[%run_scoped3A, %dma_wait3A_210] : memref<4x128xi32, #tpu.memory_space<vmem>> -> memref<1x128xi32, #tpu.memory_space<vmem>>
      %dma_wait3A_212 = tpu.memref_squeeze %dma_wait3A_211 : memref<1x128xi32, #tpu.memory_space<vmem>> -> memref<128xi32, #tpu.memory_space<vmem>>
      %dma_wait3A_213 = tpu.memref_slice %arg2[%add3A_4] : memref<16384xi32, #tpu.memory_space<hbm>> -> memref<128xi32, #tpu.memory_space<hbm>>
      %dma_wait3A_214 = arith.constant 0 : i32
      %dma_wait3A_215 = tpu.memref_slice %arg7[%run_scoped3A, %dma_wait3A_214] : memref<4x128xi32, #tpu.memory_space<vmem>> -> memref<1x128xi32, #tpu.memory_space<vmem>>
      %dma_wait3A_216 = tpu.memref_squeeze %dma_wait3A_215 : memref<1x128xi32, #tpu.memory_space<vmem>> -> memref<128xi32, #tpu.memory_space<vmem>>
      %dma_wait3A_217 = tpu.memref_slice %arg2[%add3A_4] : memref<16384xi32, #tpu.memory_space<hbm>> -> memref<128xi32, #tpu.memory_space<hbm>>
      tpu.wait_dma2 semaphore(%run_scoped3A_201 : memref<!tpu.dma_semaphore, #tpu.memory_space<semaphore_mem>>) src(%dma_wait3A_217 : memref<128xi32, #tpu.memory_space<hbm>>) dst(%dma_wait3A_216 : memref<128xi32, #tpu.memory_space<vmem>>)
      tpu.yield
    }) : () -> ()
    %add3A_5 = arith.constant 0 : i32
    %add3A_6 = arith.addi %mul3A_2, %add3A_5 : i32
    %run_scoped3A_7 = arith.constant 0 : i32
    "tpu.region"() ({
      %run_scoped3A_201 = tpu.sem_alloc : memref<!tpu.dma_semaphore, #tpu.memory_space<semaphore_mem>>
      %dma_start3A_202 = arith.constant 0 : i32
      %dma_start3A_203 = tpu.memref_slice %arg8[%run_scoped3A_7, %dma_start3A_202] : memref<4x128xi32, #tpu.memory_space<vmem>> -> memref<1x128xi32, #tpu.memory_space<vmem>>
      %dma_start3A_204 = tpu.memref_squeeze %dma_start3A_203 : memref<1x128xi32, #tpu.memory_space<vmem>> -> memref<128xi32, #tpu.memory_space<vmem>>
      %dma_start3A_205 = tpu.memref_slice %arg3[%add3A_6] : memref<16384xi32, #tpu.memory_space<hbm>> -> memref<128xi32, #tpu.memory_space<hbm>>
      %dma_start3A_206 = arith.constant 0 : i32
      %dma_start3A_207 = tpu.memref_slice %arg8[%run_scoped3A_7, %dma_start3A_206] : memref<4x128xi32, #tpu.memory_space<vmem>> -> memref<1x128xi32, #tpu.memory_space<vmem>>
      %dma_start3A_208 = tpu.memref_squeeze %dma_start3A_207 : memref<1x128xi32, #tpu.memory_space<vmem>> -> memref<128xi32, #tpu.memory_space<vmem>>
      %dma_start3A_209 = tpu.memref_slice %arg3[%add3A_6] : memref<16384xi32, #tpu.memory_space<hbm>> -> memref<128xi32, #tpu.memory_space<hbm>>
      tpu.enqueue_dma source(%dma_start3A_209 : memref<128xi32, #tpu.memory_space<hbm>>) target(%dma_start3A_208 : memref<128xi32, #tpu.memory_space<vmem>>) target_semaphore(%run_scoped3A_201 : memref<!tpu.dma_semaphore, #tpu.memory_space<semaphore_mem>>)
      %dma_wait3A_210 = arith.constant 0 : i32
      %dma_wait3A_211 = tpu.memref_slice %arg8[%run_scoped3A_7, %dma_wait3A_210] : memref<4x128xi32, #tpu.memory_space<vmem>> -> memref<1x128xi32, #tpu.memory_space<vmem>>
      %dma_wait3A_212 = tpu.memref_squeeze %dma_wait3A_211 : memref<1x128xi32, #tpu.memory_space<vmem>> -> memref<128xi32, #tpu.memory_space<vmem>>
      %dma_wait3A_213 = tpu.memref_slice %arg3[%add3A_6] : memref<16384xi32, #tpu.memory_space<hbm>> -> memref<128xi32, #tpu.memory_space<hbm>>
      %dma_wait3A_214 = arith.constant 0 : i32
      %dma_wait3A_215 = tpu.memref_slice %arg8[%run_scoped3A_7, %dma_wait3A_214] : memref<4x128xi32, #tpu.memory_space<vmem>> -> memref<1x128xi32, #tpu.memory_space<vmem>>
      %dma_wait3A_216 = tpu.memref_squeeze %dma_wait3A_215 : memref<1x128xi32, #tpu.memory_space<vmem>> -> memref<128xi32, #tpu.memory_space<vmem>>
      %dma_wait3A_217 = tpu.memref_slice %arg3[%add3A_6] : memref<16384xi32, #tpu.memory_space<hbm>> -> memref<128xi32, #tpu.memory_space<hbm>>
      tpu.wait_dma2 semaphore(%run_scoped3A_201 : memref<!tpu.dma_semaphore, #tpu.memory_space<semaphore_mem>>) src(%dma_wait3A_217 : memref<128xi32, #tpu.memory_space<hbm>>) dst(%dma_wait3A_216 : memref<128xi32, #tpu.memory_space<vmem>>)
      tpu.yield
    }) : () -> ()
    %add3A_8 = arith.constant 128 : i32
    %add3A_9 = arith.addi %mul3A_2, %add3A_8 : i32
    %run_scoped3A_10 = arith.constant 1 : i32
    "tpu.region"() ({
      %run_scoped3A_201 = tpu.sem_alloc : memref<!tpu.dma_semaphore, #tpu.memory_space<semaphore_mem>>
      %dma_start3A_202 = arith.constant 0 : i32
      %dma_start3A_203 = tpu.memref_slice %arg7[%run_scoped3A_10, %dma_start3A_202] : memref<4x128xi32, #tpu.memory_space<vmem>> -> memref<1x128xi32, #tpu.memory_space<vmem>>
      %dma_start3A_204 = tpu.memref_squeeze %dma_start3A_203 : memref<1x128xi32, #tpu.memory_space<vmem>> -> memref<128xi32, #tpu.memory_space<vmem>>
      %dma_start3A_205 = tpu.memref_slice %arg2[%add3A_9] : memref<16384xi32, #tpu.memory_space<hbm>> -> memref<128xi32, #tpu.memory_space<hbm>>
      %dma_start3A_206 = arith.constant 0 : i32
      %dma_start3A_207 = tpu.memref_slice %arg7[%run_scoped3A_10, %dma_start3A_206] : memref<4x128xi32, #tpu.memory_space<vmem>> -> memref<1x128xi32, #tpu.memory_space<vmem>>
      %dma_start3A_208 = tpu.memref_squeeze %dma_start3A_207 : memref<1x128xi32, #tpu.memory_space<vmem>> -> memref<128xi32, #tpu.memory_space<vmem>>
      %dma_start3A_209 = tpu.memref_slice %arg2[%add3A_9] : memref<16384xi32, #tpu.memory_space<hbm>> -> memref<128xi32, #tpu.memory_space<hbm>>
      tpu.enqueue_dma source(%dma_start3A_209 : memref<128xi32, #tpu.memory_space<hbm>>) target(%dma_start3A_208 : memref<128xi32, #tpu.memory_space<vmem>>) target_semaphore(%run_scoped3A_201 : memref<!tpu.dma_semaphore, #tpu.memory_space<semaphore_mem>>)
      %dma_wait3A_210 = arith.constant 0 : i32
      %dma_wait3A_211 = tpu.memref_slice %arg7[%run_scoped3A_10, %dma_wait3A_210] : memref<4x128xi32, #tpu.memory_space<vmem>> -> memref<1x128xi32, #tpu.memory_space<vmem>>
      %dma_wait3A_212 = tpu.memref_squeeze %dma_wait3A_211 : memref<1x128xi32, #tpu.memory_space<vmem>> -> memref<128xi32, #tpu.memory_space<vmem>>
      %dma_wait3A_213 = tpu.memref_slice %arg2[%add3A_9] : memref<16384xi32, #tpu.memory_space<hbm>> -> memref<128xi32, #tpu.memory_space<hbm>>
      %dma_wait3A_214 = arith.constant 0 : i32
      %dma_wait3A_215 = tpu.memref_slice %arg7[%run_scoped3A_10, %dma_wait3A_214] : memref<4x128xi32, #tpu.memory_space<vmem>> -> memref<1x128xi32, #tpu.memory_space<vmem>>
      %dma_wait3A_216 = tpu.memref_squeeze %dma_wait3A_215 : memref<1x128xi32, #tpu.memory_space<vmem>> -> memref<128xi32, #tpu.memory_space<vmem>>
      %dma_wait3A_217 = tpu.memref_slice %arg2[%add3A_9] : memref<16384xi32, #tpu.memory_space<hbm>> -> memref<128xi32, #tpu.memory_space<hbm>>
      tpu.wait_dma2 semaphore(%run_scoped3A_201 : memref<!tpu.dma_semaphore, #tpu.memory_space<semaphore_mem>>) src(%dma_wait3A_217 : memref<128xi32, #tpu.memory_space<hbm>>) dst(%dma_wait3A_216 : memref<128xi32, #tpu.memory_space<vmem>>)
      tpu.yield
    }) : () -> ()
    %add3A_11 = arith.constant 128 : i32
    %add3A_12 = arith.addi %mul3A_2, %add3A_11 : i32
    %run_scoped3A_13 = arith.constant 1 : i32
    "tpu.region"() ({
      %run_scoped3A_201 = tpu.sem_alloc : memref<!tpu.dma_semaphore, #tpu.memory_space<semaphore_mem>>
      %dma_start3A_202 = arith.constant 0 : i32
      %dma_start3A_203 = tpu.memref_slice %arg8[%run_scoped3A_13, %dma_start3A_202] : memref<4x128xi32, #tpu.memory_space<vmem>> -> memref<1x128xi32, #tpu.memory_space<vmem>>
      %dma_start3A_204 = tpu.memref_squeeze %dma_start3A_203 : memref<1x128xi32, #tpu.memory_space<vmem>> -> memref<128xi32, #tpu.memory_space<vmem>>
      %dma_start3A_205 = tpu.memref_slice %arg3[%add3A_12] : memref<16384xi32, #tpu.memory_space<hbm>> -> memref<128xi32, #tpu.memory_space<hbm>>
      %dma_start3A_206 = arith.constant 0 : i32
      %dma_start3A_207 = tpu.memref_slice %arg8[%run_scoped3A_13, %dma_start3A_206] : memref<4x128xi32, #tpu.memory_space<vmem>> -> memref<1x128xi32, #tpu.memory_space<vmem>>
      %dma_start3A_208 = tpu.memref_squeeze %dma_start3A_207 : memref<1x128xi32, #tpu.memory_space<vmem>> -> memref<128xi32, #tpu.memory_space<vmem>>
      %dma_start3A_209 = tpu.memref_slice %arg3[%add3A_12] : memref<16384xi32, #tpu.memory_space<hbm>> -> memref<128xi32, #tpu.memory_space<hbm>>
      tpu.enqueue_dma source(%dma_start3A_209 : memref<128xi32, #tpu.memory_space<hbm>>) target(%dma_start3A_208 : memref<128xi32, #tpu.memory_space<vmem>>) target_semaphore(%run_scoped3A_201 : memref<!tpu.dma_semaphore, #tpu.memory_space<semaphore_mem>>)
      %dma_wait3A_210 = arith.constant 0 : i32
      %dma_wait3A_211 = tpu.memref_slice %arg8[%run_scoped3A_13, %dma_wait3A_210] : memref<4x128xi32, #tpu.memory_space<vmem>> -> memref<1x128xi32, #tpu.memory_space<vmem>>
      %dma_wait3A_212 = tpu.memref_squeeze %dma_wait3A_211 : memref<1x128xi32, #tpu.memory_space<vmem>> -> memref<128xi32, #tpu.memory_space<vmem>>
      %dma_wait3A_213 = tpu.memref_slice %arg3[%add3A_12] : memref<16384xi32, #tpu.memory_space<hbm>> -> memref<128xi32, #tpu.memory_space<hbm>>
      %dma_wait3A_214 = arith.constant 0 : i32
      %dma_wait3A_215 = tpu.memref_slice %arg8[%run_scoped3A_13, %dma_wait3A_214] : memref<4x128xi32, #tpu.memory_space<vmem>> -> memref<1x128xi32, #tpu.memory_space<vmem>>
      %dma_wait3A_216 = tpu.memref_squeeze %dma_wait3A_215 : memref<1x128xi32, #tpu.memory_space<vmem>> -> memref<128xi32, #tpu.memory_space<vmem>>
      %dma_wait3A_217 = tpu.memref_slice %arg3[%add3A_12] : memref<16384xi32, #tpu.memory_space<hbm>> -> memref<128xi32, #tpu.memory_space<hbm>>
      tpu.wait_dma2 semaphore(%run_scoped3A_201 : memref<!tpu.dma_semaphore, #tpu.memory_space<semaphore_mem>>) src(%dma_wait3A_217 : memref<128xi32, #tpu.memory_space<hbm>>) dst(%dma_wait3A_216 : memref<128xi32, #tpu.memory_space<vmem>>)
      tpu.yield
    }) : () -> ()
    %add3A_14 = arith.constant 256 : i32
    %add3A_15 = arith.addi %mul3A_2, %add3A_14 : i32
    %run_scoped3A_16 = arith.constant 2 : i32
    "tpu.region"() ({
      %run_scoped3A_201 = tpu.sem_alloc : memref<!tpu.dma_semaphore, #tpu.memory_space<semaphore_mem>>
      %dma_start3A_202 = arith.constant 0 : i32
      %dma_start3A_203 = tpu.memref_slice %arg7[%run_scoped3A_16, %dma_start3A_202] : memref<4x128xi32, #tpu.memory_space<vmem>> -> memref<1x128xi32, #tpu.memory_space<vmem>>
      %dma_start3A_204 = tpu.memref_squeeze %dma_start3A_203 : memref<1x128xi32, #tpu.memory_space<vmem>> -> memref<128xi32, #tpu.memory_space<vmem>>
      %dma_start3A_205 = tpu.memref_slice %arg2[%add3A_15] : memref<16384xi32, #tpu.memory_space<hbm>> -> memref<128xi32, #tpu.memory_space<hbm>>
      %dma_start3A_206 = arith.constant 0 : i32
      %dma_start3A_207 = tpu.memref_slice %arg7[%run_scoped3A_16, %dma_start3A_206] : memref<4x128xi32, #tpu.memory_space<vmem>> -> memref<1x128xi32, #tpu.memory_space<vmem>>
      %dma_start3A_208 = tpu.memref_squeeze %dma_start3A_207 : memref<1x128xi32, #tpu.memory_space<vmem>> -> memref<128xi32, #tpu.memory_space<vmem>>
      %dma_start3A_209 = tpu.memref_slice %arg2[%add3A_15] : memref<16384xi32, #tpu.memory_space<hbm>> -> memref<128xi32, #tpu.memory_space<hbm>>
      tpu.enqueue_dma source(%dma_start3A_209 : memref<128xi32, #tpu.memory_space<hbm>>) target(%dma_start3A_208 : memref<128xi32, #tpu.memory_space<vmem>>) target_semaphore(%run_scoped3A_201 : memref<!tpu.dma_semaphore, #tpu.memory_space<semaphore_mem>>)
      %dma_wait3A_210 = arith.constant 0 : i32
      %dma_wait3A_211 = tpu.memref_slice %arg7[%run_scoped3A_16, %dma_wait3A_210] : memref<4x128xi32, #tpu.memory_space<vmem>> -> memref<1x128xi32, #tpu.memory_space<vmem>>
      %dma_wait3A_212 = tpu.memref_squeeze %dma_wait3A_211 : memref<1x128xi32, #tpu.memory_space<vmem>> -> memref<128xi32, #tpu.memory_space<vmem>>
      %dma_wait3A_213 = tpu.memref_slice %arg2[%add3A_15] : memref<16384xi32, #tpu.memory_space<hbm>> -> memref<128xi32, #tpu.memory_space<hbm>>
      %dma_wait3A_214 = arith.constant 0 : i32
      %dma_wait3A_215 = tpu.memref_slice %arg7[%run_scoped3A_16, %dma_wait3A_214] : memref<4x128xi32, #tpu.memory_space<vmem>> -> memref<1x128xi32, #tpu.memory_space<vmem>>
      %dma_wait3A_216 = tpu.memref_squeeze %dma_wait3A_215 : memref<1x128xi32, #tpu.memory_space<vmem>> -> memref<128xi32, #tpu.memory_space<vmem>>
      %dma_wait3A_217 = tpu.memref_slice %arg2[%add3A_15] : memref<16384xi32, #tpu.memory_space<hbm>> -> memref<128xi32, #tpu.memory_space<hbm>>
      tpu.wait_dma2 semaphore(%run_scoped3A_201 : memref<!tpu.dma_semaphore, #tpu.memory_space<semaphore_mem>>) src(%dma_wait3A_217 : memref<128xi32, #tpu.memory_space<hbm>>) dst(%dma_wait3A_216 : memref<128xi32, #tpu.memory_space<vmem>>)
      tpu.yield
    }) : () -> ()
    %add3A_17 = arith.constant 256 : i32
    %add3A_18 = arith.addi %mul3A_2, %add3A_17 : i32
    %run_scoped3A_19 = arith.constant 2 : i32
    "tpu.region"() ({
      %run_scoped3A_201 = tpu.sem_alloc : memref<!tpu.dma_semaphore, #tpu.memory_space<semaphore_mem>>
      %dma_start3A_202 = arith.constant 0 : i32
      %dma_start3A_203 = tpu.memref_slice %arg8[%run_scoped3A_19, %dma_start3A_202] : memref<4x128xi32, #tpu.memory_space<vmem>> -> memref<1x128xi32, #tpu.memory_space<vmem>>
      %dma_start3A_204 = tpu.memref_squeeze %dma_start3A_203 : memref<1x128xi32, #tpu.memory_space<vmem>> -> memref<128xi32, #tpu.memory_space<vmem>>
      %dma_start3A_205 = tpu.memref_slice %arg3[%add3A_18] : memref<16384xi32, #tpu.memory_space<hbm>> -> memref<128xi32, #tpu.memory_space<hbm>>
      %dma_start3A_206 = arith.constant 0 : i32
      %dma_start3A_207 = tpu.memref_slice %arg8[%run_scoped3A_19, %dma_start3A_206] : memref<4x128xi32, #tpu.memory_space<vmem>> -> memref<1x128xi32, #tpu.memory_space<vmem>>
      %dma_start3A_208 = tpu.memref_squeeze %dma_start3A_207 : memref<1x128xi32, #tpu.memory_space<vmem>> -> memref<128xi32, #tpu.memory_space<vmem>>
      %dma_start3A_209 = tpu.memref_slice %arg3[%add3A_18] : memref<16384xi32, #tpu.memory_space<hbm>> -> memref<128xi32, #tpu.memory_space<hbm>>
      tpu.enqueue_dma source(%dma_start3A_209 : memref<128xi32, #tpu.memory_space<hbm>>) target(%dma_start3A_208 : memref<128xi32, #tpu.memory_space<vmem>>) target_semaphore(%run_scoped3A_201 : memref<!tpu.dma_semaphore, #tpu.memory_space<semaphore_mem>>)
      %dma_wait3A_210 = arith.constant 0 : i32
      %dma_wait3A_211 = tpu.memref_slice %arg8[%run_scoped3A_19, %dma_wait3A_210] : memref<4x128xi32, #tpu.memory_space<vmem>> -> memref<1x128xi32, #tpu.memory_space<vmem>>
      %dma_wait3A_212 = tpu.memref_squeeze %dma_wait3A_211 : memref<1x128xi32, #tpu.memory_space<vmem>> -> memref<128xi32, #tpu.memory_space<vmem>>
      %dma_wait3A_213 = tpu.memref_slice %arg3[%add3A_18] : memref<16384xi32, #tpu.memory_space<hbm>> -> memref<128xi32, #tpu.memory_space<hbm>>
      %dma_wait3A_214 = arith.constant 0 : i32
      %dma_wait3A_215 = tpu.memref_slice %arg8[%run_scoped3A_19, %dma_wait3A_214] : memref<4x128xi32, #tpu.memory_space<vmem>> -> memref<1x128xi32, #tpu.memory_space<vmem>>
      %dma_wait3A_216 = tpu.memref_squeeze %dma_wait3A_215 : memref<1x128xi32, #tpu.memory_space<vmem>> -> memref<128xi32, #tpu.memory_space<vmem>>
      %dma_wait3A_217 = tpu.memref_slice %arg3[%add3A_18] : memref<16384xi32, #tpu.memory_space<hbm>> -> memref<128xi32, #tpu.memory_space<hbm>>
      tpu.wait_dma2 semaphore(%run_scoped3A_201 : memref<!tpu.dma_semaphore, #tpu.memory_space<semaphore_mem>>) src(%dma_wait3A_217 : memref<128xi32, #tpu.memory_space<hbm>>) dst(%dma_wait3A_216 : memref<128xi32, #tpu.memory_space<vmem>>)
      tpu.yield
    }) : () -> ()
    %add3A_20 = arith.constant 384 : i32
    %add3A_21 = arith.addi %mul3A_2, %add3A_20 : i32
    %run_scoped3A_22 = arith.constant 3 : i32
    "tpu.region"() ({
      %run_scoped3A_201 = tpu.sem_alloc : memref<!tpu.dma_semaphore, #tpu.memory_space<semaphore_mem>>
      %dma_start3A_202 = arith.constant 0 : i32
      %dma_start3A_203 = tpu.memref_slice %arg7[%run_scoped3A_22, %dma_start3A_202] : memref<4x128xi32, #tpu.memory_space<vmem>> -> memref<1x128xi32, #tpu.memory_space<vmem>>
      %dma_start3A_204 = tpu.memref_squeeze %dma_start3A_203 : memref<1x128xi32, #tpu.memory_space<vmem>> -> memref<128xi32, #tpu.memory_space<vmem>>
      %dma_start3A_205 = tpu.memref_slice %arg2[%add3A_21] : memref<16384xi32, #tpu.memory_space<hbm>> -> memref<128xi32, #tpu.memory_space<hbm>>
      %dma_start3A_206 = arith.constant 0 : i32
      %dma_start3A_207 = tpu.memref_slice %arg7[%run_scoped3A_22, %dma_start3A_206] : memref<4x128xi32, #tpu.memory_space<vmem>> -> memref<1x128xi32, #tpu.memory_space<vmem>>
      %dma_start3A_208 = tpu.memref_squeeze %dma_start3A_207 : memref<1x128xi32, #tpu.memory_space<vmem>> -> memref<128xi32, #tpu.memory_space<vmem>>
      %dma_start3A_209 = tpu.memref_slice %arg2[%add3A_21] : memref<16384xi32, #tpu.memory_space<hbm>> -> memref<128xi32, #tpu.memory_space<hbm>>
      tpu.enqueue_dma source(%dma_start3A_209 : memref<128xi32, #tpu.memory_space<hbm>>) target(%dma_start3A_208 : memref<128xi32, #tpu.memory_space<vmem>>) target_semaphore(%run_scoped3A_201 : memref<!tpu.dma_semaphore, #tpu.memory_space<semaphore_mem>>)
      %dma_wait3A_210 = arith.constant 0 : i32
      %dma_wait3A_211 = tpu.memref_slice %arg7[%run_scoped3A_22, %dma_wait3A_210] : memref<4x128xi32, #tpu.memory_space<vmem>> -> memref<1x128xi32, #tpu.memory_space<vmem>>
      %dma_wait3A_212 = tpu.memref_squeeze %dma_wait3A_211 : memref<1x128xi32, #tpu.memory_space<vmem>> -> memref<128xi32, #tpu.memory_space<vmem>>
      %dma_wait3A_213 = tpu.memref_slice %arg2[%add3A_21] : memref<16384xi32, #tpu.memory_space<hbm>> -> memref<128xi32, #tpu.memory_space<hbm>>
      %dma_wait3A_214 = arith.constant 0 : i32
      %dma_wait3A_215 = tpu.memref_slice %arg7[%run_scoped3A_22, %dma_wait3A_214] : memref<4x128xi32, #tpu.memory_space<vmem>> -> memref<1x128xi32, #tpu.memory_space<vmem>>
      %dma_wait3A_216 = tpu.memref_squeeze %dma_wait3A_215 : memref<1x128xi32, #tpu.memory_space<vmem>> -> memref<128xi32, #tpu.memory_space<vmem>>
      %dma_wait3A_217 = tpu.memref_slice %arg2[%add3A_21] : memref<16384xi32, #tpu.memory_space<hbm>> -> memref<128xi32, #tpu.memory_space<hbm>>
      tpu.wait_dma2 semaphore(%run_scoped3A_201 : memref<!tpu.dma_semaphore, #tpu.memory_space<semaphore_mem>>) src(%dma_wait3A_217 : memref<128xi32, #tpu.memory_space<hbm>>) dst(%dma_wait3A_216 : memref<128xi32, #tpu.memory_space<vmem>>)
      tpu.yield
    }) : () -> ()
    %add3A_23 = arith.constant 384 : i32
    %add3A_24 = arith.addi %mul3A_2, %add3A_23 : i32
    %run_scoped3A_25 = arith.constant 3 : i32
    "tpu.region"() ({
      %run_scoped3A_201 = tpu.sem_alloc : memref<!tpu.dma_semaphore, #tpu.memory_space<semaphore_mem>>
      %dma_start3A_202 = arith.constant 0 : i32
      %dma_start3A_203 = tpu.memref_slice %arg8[%run_scoped3A_25, %dma_start3A_202] : memref<4x128xi32, #tpu.memory_space<vmem>> -> memref<1x128xi32, #tpu.memory_space<vmem>>
      %dma_start3A_204 = tpu.memref_squeeze %dma_start3A_203 : memref<1x128xi32, #tpu.memory_space<vmem>> -> memref<128xi32, #tpu.memory_space<vmem>>
      %dma_start3A_205 = tpu.memref_slice %arg3[%add3A_24] : memref<16384xi32, #tpu.memory_space<hbm>> -> memref<128xi32, #tpu.memory_space<hbm>>
      %dma_start3A_206 = arith.constant 0 : i32
      %dma_start3A_207 = tpu.memref_slice %arg8[%run_scoped3A_25, %dma_start3A_206] : memref<4x128xi32, #tpu.memory_space<vmem>> -> memref<1x128xi32, #tpu.memory_space<vmem>>
      %dma_start3A_208 = tpu.memref_squeeze %dma_start3A_207 : memref<1x128xi32, #tpu.memory_space<vmem>> -> memref<128xi32, #tpu.memory_space<vmem>>
      %dma_start3A_209 = tpu.memref_slice %arg3[%add3A_24] : memref<16384xi32, #tpu.memory_space<hbm>> -> memref<128xi32, #tpu.memory_space<hbm>>
      tpu.enqueue_dma source(%dma_start3A_209 : memref<128xi32, #tpu.memory_space<hbm>>) target(%dma_start3A_208 : memref<128xi32, #tpu.memory_space<vmem>>) target_semaphore(%run_scoped3A_201 : memref<!tpu.dma_semaphore, #tpu.memory_space<semaphore_mem>>)
      %dma_wait3A_210 = arith.constant 0 : i32
      %dma_wait3A_211 = tpu.memref_slice %arg8[%run_scoped3A_25, %dma_wait3A_210] : memref<4x128xi32, #tpu.memory_space<vmem>> -> memref<1x128xi32, #tpu.memory_space<vmem>>
      %dma_wait3A_212 = tpu.memref_squeeze %dma_wait3A_211 : memref<1x128xi32, #tpu.memory_space<vmem>> -> memref<128xi32, #tpu.memory_space<vmem>>
      %dma_wait3A_213 = tpu.memref_slice %arg3[%add3A_24] : memref<16384xi32, #tpu.memory_space<hbm>> -> memref<128xi32, #tpu.memory_space<hbm>>
      %dma_wait3A_214 = arith.constant 0 : i32
      %dma_wait3A_215 = tpu.memref_slice %arg8[%run_scoped3A_25, %dma_wait3A_214] : memref<4x128xi32, #tpu.memory_space<vmem>> -> memref<1x128xi32, #tpu.memory_space<vmem>>
      %dma_wait3A_216 = tpu.memref_squeeze %dma_wait3A_215 : memref<1x128xi32, #tpu.memory_space<vmem>> -> memref<128xi32, #tpu.memory_space<vmem>>
      %dma_wait3A_217 = tpu.memref_slice %arg3[%add3A_24] : memref<16384xi32, #tpu.memory_space<hbm>> -> memref<128xi32, #tpu.memory_space<hbm>>
      tpu.wait_dma2 semaphore(%run_scoped3A_201 : memref<!tpu.dma_semaphore, #tpu.memory_space<semaphore_mem>>) src(%dma_wait3A_217 : memref<128xi32, #tpu.memory_space<hbm>>) dst(%dma_wait3A_216 : memref<128xi32, #tpu.memory_space<vmem>>)
      tpu.yield
    }) : () -> ()
    %dma_start3A = arith.constant 0 : i32
    %dma_start3A_26 = arith.constant 0 : i32
    %dma_start3A_27 = arith.constant 0 : i32
    %dma_start3A_28 = tpu.memref_slice %arg9[%dma_start3A_26, %dma_start3A_27] : memref<512x32xf32, #tpu.memory_space<vmem>> -> memref<128x32xf32, #tpu.memory_space<vmem>>
    %dma_start3A_29 = arith.constant 0 : i32
    %dma_start3A_30 = tpu.memref_slice %arg7[%dma_start3A, %dma_start3A_29] : memref<4x128xi32, #tpu.memory_space<vmem>> -> memref<1x128xi32, #tpu.memory_space<vmem>>
    %dma_start3A_31 = tpu.memref_squeeze %dma_start3A_30 : memref<1x128xi32, #tpu.memory_space<vmem>> -> memref<128xi32, #tpu.memory_space<vmem>>
    %dma_start3A_32 = arith.constant 0 : i32
    %dma_start3A_33 = arith.constant 0 : i32
    %dma_start3A_34 = tpu.memref_slice %arg4[%dma_start3A_32, %dma_start3A_33] : memref<1000000x32xf32, #tpu.memory_space<hbm>> -> memref<1000000x32xf32, #tpu.memory_space<hbm>>
    tpu.enqueue_indirect_dma source(%dma_start3A_34 : memref<1000000x32xf32, #tpu.memory_space<hbm>>) target(%dma_start3A_28 : memref<128x32xf32, #tpu.memory_space<vmem>>) offsets(%dma_start3A_31 : memref<128xi32, #tpu.memory_space<vmem>>) semaphore(%arg12 : memref<!tpu.dma_semaphore, #tpu.memory_space<semaphore_mem>>)
    %dma_start3A_35 = arith.constant 0 : i32
    %dma_start3A_36 = arith.constant 0 : i32
    %dma_start3A_37 = arith.constant 0 : i32
    %dma_start3A_38 = tpu.memref_slice %arg10[%dma_start3A_36, %dma_start3A_37] : memref<512x32xf32, #tpu.memory_space<vmem>> -> memref<128x32xf32, #tpu.memory_space<vmem>>
    %dma_start3A_39 = arith.constant 0 : i32
    %dma_start3A_40 = tpu.memref_slice %arg8[%dma_start3A_35, %dma_start3A_39] : memref<4x128xi32, #tpu.memory_space<vmem>> -> memref<1x128xi32, #tpu.memory_space<vmem>>
    %dma_start3A_41 = tpu.memref_squeeze %dma_start3A_40 : memref<1x128xi32, #tpu.memory_space<vmem>> -> memref<128xi32, #tpu.memory_space<vmem>>
    %dma_start3A_42 = arith.constant 0 : i32
    %dma_start3A_43 = arith.constant 0 : i32
    %dma_start3A_44 = tpu.memref_slice %arg5[%dma_start3A_42, %dma_start3A_43] : memref<1000000x32xf32, #tpu.memory_space<hbm>> -> memref<1000000x32xf32, #tpu.memory_space<hbm>>
    tpu.enqueue_indirect_dma source(%dma_start3A_44 : memref<1000000x32xf32, #tpu.memory_space<hbm>>) target(%dma_start3A_38 : memref<128x32xf32, #tpu.memory_space<vmem>>) offsets(%dma_start3A_41 : memref<128xi32, #tpu.memory_space<vmem>>) semaphore(%arg12 : memref<!tpu.dma_semaphore, #tpu.memory_space<semaphore_mem>>)
    %dma_start3A_45 = arith.constant 1 : i32
    %dma_start3A_46 = arith.constant 128 : i32
    %dma_start3A_47 = arith.constant 0 : i32
    %dma_start3A_48 = tpu.memref_slice %arg9[%dma_start3A_46, %dma_start3A_47] : memref<512x32xf32, #tpu.memory_space<vmem>> -> memref<128x32xf32, #tpu.memory_space<vmem>>
    %dma_start3A_49 = arith.constant 0 : i32
    %dma_start3A_50 = tpu.memref_slice %arg7[%dma_start3A_45, %dma_start3A_49] : memref<4x128xi32, #tpu.memory_space<vmem>> -> memref<1x128xi32, #tpu.memory_space<vmem>>
    %dma_start3A_51 = tpu.memref_squeeze %dma_start3A_50 : memref<1x128xi32, #tpu.memory_space<vmem>> -> memref<128xi32, #tpu.memory_space<vmem>>
    %dma_start3A_52 = arith.constant 0 : i32
    %dma_start3A_53 = arith.constant 0 : i32
    %dma_start3A_54 = tpu.memref_slice %arg4[%dma_start3A_52, %dma_start3A_53] : memref<1000000x32xf32, #tpu.memory_space<hbm>> -> memref<1000000x32xf32, #tpu.memory_space<hbm>>
    tpu.enqueue_indirect_dma source(%dma_start3A_54 : memref<1000000x32xf32, #tpu.memory_space<hbm>>) target(%dma_start3A_48 : memref<128x32xf32, #tpu.memory_space<vmem>>) offsets(%dma_start3A_51 : memref<128xi32, #tpu.memory_space<vmem>>) semaphore(%arg12 : memref<!tpu.dma_semaphore, #tpu.memory_space<semaphore_mem>>)
    %dma_start3A_55 = arith.constant 1 : i32
    %dma_start3A_56 = arith.constant 128 : i32
    %dma_start3A_57 = arith.constant 0 : i32
    %dma_start3A_58 = tpu.memref_slice %arg10[%dma_start3A_56, %dma_start3A_57] : memref<512x32xf32, #tpu.memory_space<vmem>> -> memref<128x32xf32, #tpu.memory_space<vmem>>
    %dma_start3A_59 = arith.constant 0 : i32
    %dma_start3A_60 = tpu.memref_slice %arg8[%dma_start3A_55, %dma_start3A_59] : memref<4x128xi32, #tpu.memory_space<vmem>> -> memref<1x128xi32, #tpu.memory_space<vmem>>
    %dma_start3A_61 = tpu.memref_squeeze %dma_start3A_60 : memref<1x128xi32, #tpu.memory_space<vmem>> -> memref<128xi32, #tpu.memory_space<vmem>>
    %dma_start3A_62 = arith.constant 0 : i32
    %dma_start3A_63 = arith.constant 0 : i32
    %dma_start3A_64 = tpu.memref_slice %arg5[%dma_start3A_62, %dma_start3A_63] : memref<1000000x32xf32, #tpu.memory_space<hbm>> -> memref<1000000x32xf32, #tpu.memory_space<hbm>>
    tpu.enqueue_indirect_dma source(%dma_start3A_64 : memref<1000000x32xf32, #tpu.memory_space<hbm>>) target(%dma_start3A_58 : memref<128x32xf32, #tpu.memory_space<vmem>>) offsets(%dma_start3A_61 : memref<128xi32, #tpu.memory_space<vmem>>) semaphore(%arg12 : memref<!tpu.dma_semaphore, #tpu.memory_space<semaphore_mem>>)
    %dma_start3A_65 = arith.constant 2 : i32
    %dma_start3A_66 = arith.constant 256 : i32
    %dma_start3A_67 = arith.constant 0 : i32
    %dma_start3A_68 = tpu.memref_slice %arg9[%dma_start3A_66, %dma_start3A_67] : memref<512x32xf32, #tpu.memory_space<vmem>> -> memref<128x32xf32, #tpu.memory_space<vmem>>
    %dma_start3A_69 = arith.constant 0 : i32
    %dma_start3A_70 = tpu.memref_slice %arg7[%dma_start3A_65, %dma_start3A_69] : memref<4x128xi32, #tpu.memory_space<vmem>> -> memref<1x128xi32, #tpu.memory_space<vmem>>
    %dma_start3A_71 = tpu.memref_squeeze %dma_start3A_70 : memref<1x128xi32, #tpu.memory_space<vmem>> -> memref<128xi32, #tpu.memory_space<vmem>>
    %dma_start3A_72 = arith.constant 0 : i32
    %dma_start3A_73 = arith.constant 0 : i32
    %dma_start3A_74 = tpu.memref_slice %arg4[%dma_start3A_72, %dma_start3A_73] : memref<1000000x32xf32, #tpu.memory_space<hbm>> -> memref<1000000x32xf32, #tpu.memory_space<hbm>>
    tpu.enqueue_indirect_dma source(%dma_start3A_74 : memref<1000000x32xf32, #tpu.memory_space<hbm>>) target(%dma_start3A_68 : memref<128x32xf32, #tpu.memory_space<vmem>>) offsets(%dma_start3A_71 : memref<128xi32, #tpu.memory_space<vmem>>) semaphore(%arg12 : memref<!tpu.dma_semaphore, #tpu.memory_space<semaphore_mem>>)
    %dma_start3A_75 = arith.constant 2 : i32
    %dma_start3A_76 = arith.constant 256 : i32
    %dma_start3A_77 = arith.constant 0 : i32
    %dma_start3A_78 = tpu.memref_slice %arg10[%dma_start3A_76, %dma_start3A_77] : memref<512x32xf32, #tpu.memory_space<vmem>> -> memref<128x32xf32, #tpu.memory_space<vmem>>
    %dma_start3A_79 = arith.constant 0 : i32
    %dma_start3A_80 = tpu.memref_slice %arg8[%dma_start3A_75, %dma_start3A_79] : memref<4x128xi32, #tpu.memory_space<vmem>> -> memref<1x128xi32, #tpu.memory_space<vmem>>
    %dma_start3A_81 = tpu.memref_squeeze %dma_start3A_80 : memref<1x128xi32, #tpu.memory_space<vmem>> -> memref<128xi32, #tpu.memory_space<vmem>>
    %dma_start3A_82 = arith.constant 0 : i32
    %dma_start3A_83 = arith.constant 0 : i32
    %dma_start3A_84 = tpu.memref_slice %arg5[%dma_start3A_82, %dma_start3A_83] : memref<1000000x32xf32, #tpu.memory_space<hbm>> -> memref<1000000x32xf32, #tpu.memory_space<hbm>>
    tpu.enqueue_indirect_dma source(%dma_start3A_84 : memref<1000000x32xf32, #tpu.memory_space<hbm>>) target(%dma_start3A_78 : memref<128x32xf32, #tpu.memory_space<vmem>>) offsets(%dma_start3A_81 : memref<128xi32, #tpu.memory_space<vmem>>) semaphore(%arg12 : memref<!tpu.dma_semaphore, #tpu.memory_space<semaphore_mem>>)
    %dma_start3A_85 = arith.constant 3 : i32
    %dma_start3A_86 = arith.constant 384 : i32
    %dma_start3A_87 = arith.constant 0 : i32
    %dma_start3A_88 = tpu.memref_slice %arg9[%dma_start3A_86, %dma_start3A_87] : memref<512x32xf32, #tpu.memory_space<vmem>> -> memref<128x32xf32, #tpu.memory_space<vmem>>
    %dma_start3A_89 = arith.constant 0 : i32
    %dma_start3A_90 = tpu.memref_slice %arg7[%dma_start3A_85, %dma_start3A_89] : memref<4x128xi32, #tpu.memory_space<vmem>> -> memref<1x128xi32, #tpu.memory_space<vmem>>
    %dma_start3A_91 = tpu.memref_squeeze %dma_start3A_90 : memref<1x128xi32, #tpu.memory_space<vmem>> -> memref<128xi32, #tpu.memory_space<vmem>>
    %dma_start3A_92 = arith.constant 0 : i32
    %dma_start3A_93 = arith.constant 0 : i32
    %dma_start3A_94 = tpu.memref_slice %arg4[%dma_start3A_92, %dma_start3A_93] : memref<1000000x32xf32, #tpu.memory_space<hbm>> -> memref<1000000x32xf32, #tpu.memory_space<hbm>>
    tpu.enqueue_indirect_dma source(%dma_start3A_94 : memref<1000000x32xf32, #tpu.memory_space<hbm>>) target(%dma_start3A_88 : memref<128x32xf32, #tpu.memory_space<vmem>>) offsets(%dma_start3A_91 : memref<128xi32, #tpu.memory_space<vmem>>) semaphore(%arg12 : memref<!tpu.dma_semaphore, #tpu.memory_space<semaphore_mem>>)
    %dma_start3A_95 = arith.constant 3 : i32
    %dma_start3A_96 = arith.constant 384 : i32
    %dma_start3A_97 = arith.constant 0 : i32
    %dma_start3A_98 = tpu.memref_slice %arg10[%dma_start3A_96, %dma_start3A_97] : memref<512x32xf32, #tpu.memory_space<vmem>> -> memref<128x32xf32, #tpu.memory_space<vmem>>
    %dma_start3A_99 = arith.constant 0 : i32
    %dma_start3A_100 = tpu.memref_slice %arg8[%dma_start3A_95, %dma_start3A_99] : memref<4x128xi32, #tpu.memory_space<vmem>> -> memref<1x128xi32, #tpu.memory_space<vmem>>
    %dma_start3A_101 = tpu.memref_squeeze %dma_start3A_100 : memref<1x128xi32, #tpu.memory_space<vmem>> -> memref<128xi32, #tpu.memory_space<vmem>>
    %dma_start3A_102 = arith.constant 0 : i32
    %dma_start3A_103 = arith.constant 0 : i32
    %dma_start3A_104 = tpu.memref_slice %arg5[%dma_start3A_102, %dma_start3A_103] : memref<1000000x32xf32, #tpu.memory_space<hbm>> -> memref<1000000x32xf32, #tpu.memory_space<hbm>>
    tpu.enqueue_indirect_dma source(%dma_start3A_104 : memref<1000000x32xf32, #tpu.memory_space<hbm>>) target(%dma_start3A_98 : memref<128x32xf32, #tpu.memory_space<vmem>>) offsets(%dma_start3A_101 : memref<128xi32, #tpu.memory_space<vmem>>) semaphore(%arg12 : memref<!tpu.dma_semaphore, #tpu.memory_space<semaphore_mem>>)
    %dma_wait3A = arith.constant 0 : i32
    %dma_wait3A_105 = arith.constant 0 : i32
    %dma_wait3A_106 = arith.constant 0 : i32
    %dma_wait3A_107 = tpu.memref_slice %arg9[%dma_wait3A_105, %dma_wait3A_106] : memref<512x32xf32, #tpu.memory_space<vmem>> -> memref<128x32xf32, #tpu.memory_space<vmem>>
    %dma_wait3A_108 = arith.constant 0 : i32
    %dma_wait3A_109 = tpu.memref_slice %arg7[%dma_wait3A, %dma_wait3A_108] : memref<4x128xi32, #tpu.memory_space<vmem>> -> memref<1x128xi32, #tpu.memory_space<vmem>>
    %dma_wait3A_110 = tpu.memref_squeeze %dma_wait3A_109 : memref<1x128xi32, #tpu.memory_space<vmem>> -> memref<128xi32, #tpu.memory_space<vmem>>
    %dma_wait3A_111 = arith.constant 0 : i32
    %dma_wait3A_112 = arith.constant 0 : i32
    %dma_wait3A_113 = tpu.memref_slice %arg4[%dma_wait3A_111, %dma_wait3A_112] : memref<1000000x32xf32, #tpu.memory_space<hbm>> -> memref<1000000x32xf32, #tpu.memory_space<hbm>>
    tpu.wait_indirect_dma semaphore(%arg12 : memref<!tpu.dma_semaphore, #tpu.memory_space<semaphore_mem>>) src(%dma_wait3A_113 : memref<1000000x32xf32, #tpu.memory_space<hbm>>) dst(%dma_wait3A_107 : memref<128x32xf32, #tpu.memory_space<vmem>>)
    %dma_wait3A_114 = arith.constant 0 : i32
    %dma_wait3A_115 = arith.constant 0 : i32
    %dma_wait3A_116 = arith.constant 0 : i32
    %dma_wait3A_117 = tpu.memref_slice %arg10[%dma_wait3A_115, %dma_wait3A_116] : memref<512x32xf32, #tpu.memory_space<vmem>> -> memref<128x32xf32, #tpu.memory_space<vmem>>
    %dma_wait3A_118 = arith.constant 0 : i32
    %dma_wait3A_119 = tpu.memref_slice %arg8[%dma_wait3A_114, %dma_wait3A_118] : memref<4x128xi32, #tpu.memory_space<vmem>> -> memref<1x128xi32, #tpu.memory_space<vmem>>
    %dma_wait3A_120 = tpu.memref_squeeze %dma_wait3A_119 : memref<1x128xi32, #tpu.memory_space<vmem>> -> memref<128xi32, #tpu.memory_space<vmem>>
    %dma_wait3A_121 = arith.constant 0 : i32
    %dma_wait3A_122 = arith.constant 0 : i32
    %dma_wait3A_123 = tpu.memref_slice %arg5[%dma_wait3A_121, %dma_wait3A_122] : memref<1000000x32xf32, #tpu.memory_space<hbm>> -> memref<1000000x32xf32, #tpu.memory_space<hbm>>
    tpu.wait_indirect_dma semaphore(%arg12 : memref<!tpu.dma_semaphore, #tpu.memory_space<semaphore_mem>>) src(%dma_wait3A_123 : memref<1000000x32xf32, #tpu.memory_space<hbm>>) dst(%dma_wait3A_117 : memref<128x32xf32, #tpu.memory_space<vmem>>)
    %dma_wait3A_124 = arith.constant 1 : i32
    %dma_wait3A_125 = arith.constant 128 : i32
    %dma_wait3A_126 = arith.constant 0 : i32
    %dma_wait3A_127 = tpu.memref_slice %arg9[%dma_wait3A_125, %dma_wait3A_126] : memref<512x32xf32, #tpu.memory_space<vmem>> -> memref<128x32xf32, #tpu.memory_space<vmem>>
    %dma_wait3A_128 = arith.constant 0 : i32
    %dma_wait3A_129 = tpu.memref_slice %arg7[%dma_wait3A_124, %dma_wait3A_128] : memref<4x128xi32, #tpu.memory_space<vmem>> -> memref<1x128xi32, #tpu.memory_space<vmem>>
    %dma_wait3A_130 = tpu.memref_squeeze %dma_wait3A_129 : memref<1x128xi32, #tpu.memory_space<vmem>> -> memref<128xi32, #tpu.memory_space<vmem>>
    %dma_wait3A_131 = arith.constant 0 : i32
    %dma_wait3A_132 = arith.constant 0 : i32
    %dma_wait3A_133 = tpu.memref_slice %arg4[%dma_wait3A_131, %dma_wait3A_132] : memref<1000000x32xf32, #tpu.memory_space<hbm>> -> memref<1000000x32xf32, #tpu.memory_space<hbm>>
    tpu.wait_indirect_dma semaphore(%arg12 : memref<!tpu.dma_semaphore, #tpu.memory_space<semaphore_mem>>) src(%dma_wait3A_133 : memref<1000000x32xf32, #tpu.memory_space<hbm>>) dst(%dma_wait3A_127 : memref<128x32xf32, #tpu.memory_space<vmem>>)
    %dma_wait3A_134 = arith.constant 1 : i32
    %dma_wait3A_135 = arith.constant 128 : i32
    %dma_wait3A_136 = arith.constant 0 : i32
    %dma_wait3A_137 = tpu.memref_slice %arg10[%dma_wait3A_135, %dma_wait3A_136] : memref<512x32xf32, #tpu.memory_space<vmem>> -> memref<128x32xf32, #tpu.memory_space<vmem>>
    %dma_wait3A_138 = arith.constant 0 : i32
    %dma_wait3A_139 = tpu.memref_slice %arg8[%dma_wait3A_134, %dma_wait3A_138] : memref<4x128xi32, #tpu.memory_space<vmem>> -> memref<1x128xi32, #tpu.memory_space<vmem>>
    %dma_wait3A_140 = tpu.memref_squeeze %dma_wait3A_139 : memref<1x128xi32, #tpu.memory_space<vmem>> -> memref<128xi32, #tpu.memory_space<vmem>>
    %dma_wait3A_141 = arith.constant 0 : i32
    %dma_wait3A_142 = arith.constant 0 : i32
    %dma_wait3A_143 = tpu.memref_slice %arg5[%dma_wait3A_141, %dma_wait3A_142] : memref<1000000x32xf32, #tpu.memory_space<hbm>> -> memref<1000000x32xf32, #tpu.memory_space<hbm>>
    tpu.wait_indirect_dma semaphore(%arg12 : memref<!tpu.dma_semaphore, #tpu.memory_space<semaphore_mem>>) src(%dma_wait3A_143 : memref<1000000x32xf32, #tpu.memory_space<hbm>>) dst(%dma_wait3A_137 : memref<128x32xf32, #tpu.memory_space<vmem>>)
    %dma_wait3A_144 = arith.constant 2 : i32
    %dma_wait3A_145 = arith.constant 256 : i32
    %dma_wait3A_146 = arith.constant 0 : i32
    %dma_wait3A_147 = tpu.memref_slice %arg9[%dma_wait3A_145, %dma_wait3A_146] : memref<512x32xf32, #tpu.memory_space<vmem>> -> memref<128x32xf32, #tpu.memory_space<vmem>>
    %dma_wait3A_148 = arith.constant 0 : i32
    %dma_wait3A_149 = tpu.memref_slice %arg7[%dma_wait3A_144, %dma_wait3A_148] : memref<4x128xi32, #tpu.memory_space<vmem>> -> memref<1x128xi32, #tpu.memory_space<vmem>>
    %dma_wait3A_150 = tpu.memref_squeeze %dma_wait3A_149 : memref<1x128xi32, #tpu.memory_space<vmem>> -> memref<128xi32, #tpu.memory_space<vmem>>
    %dma_wait3A_151 = arith.constant 0 : i32
    %dma_wait3A_152 = arith.constant 0 : i32
    %dma_wait3A_153 = tpu.memref_slice %arg4[%dma_wait3A_151, %dma_wait3A_152] : memref<1000000x32xf32, #tpu.memory_space<hbm>> -> memref<1000000x32xf32, #tpu.memory_space<hbm>>
    tpu.wait_indirect_dma semaphore(%arg12 : memref<!tpu.dma_semaphore, #tpu.memory_space<semaphore_mem>>) src(%dma_wait3A_153 : memref<1000000x32xf32, #tpu.memory_space<hbm>>) dst(%dma_wait3A_147 : memref<128x32xf32, #tpu.memory_space<vmem>>)
    %dma_wait3A_154 = arith.constant 2 : i32
    %dma_wait3A_155 = arith.constant 256 : i32
    %dma_wait3A_156 = arith.constant 0 : i32
    %dma_wait3A_157 = tpu.memref_slice %arg10[%dma_wait3A_155, %dma_wait3A_156] : memref<512x32xf32, #tpu.memory_space<vmem>> -> memref<128x32xf32, #tpu.memory_space<vmem>>
    %dma_wait3A_158 = arith.constant 0 : i32
    %dma_wait3A_159 = tpu.memref_slice %arg8[%dma_wait3A_154, %dma_wait3A_158] : memref<4x128xi32, #tpu.memory_space<vmem>> -> memref<1x128xi32, #tpu.memory_space<vmem>>
    %dma_wait3A_160 = tpu.memref_squeeze %dma_wait3A_159 : memref<1x128xi32, #tpu.memory_space<vmem>> -> memref<128xi32, #tpu.memory_space<vmem>>
    %dma_wait3A_161 = arith.constant 0 : i32
    %dma_wait3A_162 = arith.constant 0 : i32
    %dma_wait3A_163 = tpu.memref_slice %arg5[%dma_wait3A_161, %dma_wait3A_162] : memref<1000000x32xf32, #tpu.memory_space<hbm>> -> memref<1000000x32xf32, #tpu.memory_space<hbm>>
    tpu.wait_indirect_dma semaphore(%arg12 : memref<!tpu.dma_semaphore, #tpu.memory_space<semaphore_mem>>) src(%dma_wait3A_163 : memref<1000000x32xf32, #tpu.memory_space<hbm>>) dst(%dma_wait3A_157 : memref<128x32xf32, #tpu.memory_space<vmem>>)
    %dma_wait3A_164 = arith.constant 3 : i32
    %dma_wait3A_165 = arith.constant 384 : i32
    %dma_wait3A_166 = arith.constant 0 : i32
    %dma_wait3A_167 = tpu.memref_slice %arg9[%dma_wait3A_165, %dma_wait3A_166] : memref<512x32xf32, #tpu.memory_space<vmem>> -> memref<128x32xf32, #tpu.memory_space<vmem>>
    %dma_wait3A_168 = arith.constant 0 : i32
    %dma_wait3A_169 = tpu.memref_slice %arg7[%dma_wait3A_164, %dma_wait3A_168] : memref<4x128xi32, #tpu.memory_space<vmem>> -> memref<1x128xi32, #tpu.memory_space<vmem>>
    %dma_wait3A_170 = tpu.memref_squeeze %dma_wait3A_169 : memref<1x128xi32, #tpu.memory_space<vmem>> -> memref<128xi32, #tpu.memory_space<vmem>>
    %dma_wait3A_171 = arith.constant 0 : i32
    %dma_wait3A_172 = arith.constant 0 : i32
    %dma_wait3A_173 = tpu.memref_slice %arg4[%dma_wait3A_171, %dma_wait3A_172] : memref<1000000x32xf32, #tpu.memory_space<hbm>> -> memref<1000000x32xf32, #tpu.memory_space<hbm>>
    tpu.wait_indirect_dma semaphore(%arg12 : memref<!tpu.dma_semaphore, #tpu.memory_space<semaphore_mem>>) src(%dma_wait3A_173 : memref<1000000x32xf32, #tpu.memory_space<hbm>>) dst(%dma_wait3A_167 : memref<128x32xf32, #tpu.memory_space<vmem>>)
    %dma_wait3A_174 = arith.constant 3 : i32
    %dma_wait3A_175 = arith.constant 384 : i32
    %dma_wait3A_176 = arith.constant 0 : i32
    %dma_wait3A_177 = tpu.memref_slice %arg10[%dma_wait3A_175, %dma_wait3A_176] : memref<512x32xf32, #tpu.memory_space<vmem>> -> memref<128x32xf32, #tpu.memory_space<vmem>>
    %dma_wait3A_178 = arith.constant 0 : i32
    %dma_wait3A_179 = tpu.memref_slice %arg8[%dma_wait3A_174, %dma_wait3A_178] : memref<4x128xi32, #tpu.memory_space<vmem>> -> memref<1x128xi32, #tpu.memory_space<vmem>>
    %dma_wait3A_180 = tpu.memref_squeeze %dma_wait3A_179 : memref<1x128xi32, #tpu.memory_space<vmem>> -> memref<128xi32, #tpu.memory_space<vmem>>
    %dma_wait3A_181 = arith.constant 0 : i32
    %dma_wait3A_182 = arith.constant 0 : i32
    %dma_wait3A_183 = tpu.memref_slice %arg5[%dma_wait3A_181, %dma_wait3A_182] : memref<1000000x32xf32, #tpu.memory_space<hbm>> -> memref<1000000x32xf32, #tpu.memory_space<hbm>>
    tpu.wait_indirect_dma semaphore(%arg12 : memref<!tpu.dma_semaphore, #tpu.memory_space<semaphore_mem>>) src(%dma_wait3A_183 : memref<1000000x32xf32, #tpu.memory_space<hbm>>) dst(%dma_wait3A_177 : memref<128x32xf32, #tpu.memory_space<vmem>>)
    %iota3A = tpu.iota {dimensions = array<i32: 0>} : vector<16xi32>
    %xor3A = arith.constant 1 : i32
    %xor3A_184 = vector.broadcast %xor3A : i32 to vector<16xi32>
    %xor3A_185 = arith.xori %iota3A, %xor3A_184 : vector<16xi32>
    %xor3A_186 = arith.constant 2 : i32
    %xor3A_187 = vector.broadcast %xor3A_186 : i32 to vector<16xi32>
    %xor3A_188 = arith.xori %iota3A, %xor3A_187 : vector<16xi32>
    %xor3A_189 = arith.constant 4 : i32
    %xor3A_190 = vector.broadcast %xor3A_189 : i32 to vector<16xi32>
    %xor3A_191 = arith.xori %iota3A, %xor3A_190 : vector<16xi32>
    %xor3A_192 = arith.constant 8 : i32
    %xor3A_193 = vector.broadcast %xor3A_192 : i32 to vector<16xi32>
    %xor3A_194 = arith.xori %iota3A, %xor3A_193 : vector<16xi32>
    %scan3A = arith.constant 0 : i32
    %scan3A_195 = arith.constant 0 : i32
    %scan3A_196 = arith.constant 32 : i32
    %scan3A_197 = arith.addi %scan3A_195, %scan3A_196 : i32
    %scan3A_198 = arith.constant 1 : i32
    %scan3A_199 = scf.for %scan3A_201 = %scan3A_195 to %scan3A_197 step %scan3A_198 iter_args(%scan3A_202 = %scan3A) -> (i32)  : i32 {
      %broadcast_in_dim3A = arith.constant 0.000000e+00 : f32
      %broadcast_in_dim3A_203 = vector.broadcast %broadcast_in_dim3A : f32 to vector<16xf32>
      %mul3A_204 = arith.constant 16 : i32
      %mul3A_205 = arith.muli %scan3A_201, %mul3A_204 : i32
      %add3A_206 = arith.constant 0 : i32
      %add3A_207 = arith.addi %mul3A_205, %add3A_206 : i32
      %get3A = arith.index_cast %add3A_207 : i32 to index
      %get3A_208 = arith.constant 0 : index
      %get3A_209 = tpu.vector_load %arg9[%get3A, %get3A_208] {strides = array<i32>} : memref<512x32xf32, #tpu.memory_space<vmem>>, vector<1x16xf32>,
      %get3A_210 = vector.shape_cast %get3A_209 : vector<1x16xf32> to vector<16xf32>
      %get3A_211 = arith.index_cast %add3A_207 : i32 to index
      %get3A_212 = arith.constant 0 : index
      %get3A_213 = tpu.vector_load %arg10[%get3A_211, %get3A_212] {strides = array<i32>} : memref<512x32xf32, #tpu.memory_space<vmem>>, vector<1x16xf32>,
      %get3A_214 = vector.shape_cast %get3A_213 : vector<1x16xf32> to vector<16xf32>
      %mul3A_215 = arith.mulf %get3A_210, %get3A_214 : vector<16xf32>
      %get3A_216 = arith.index_cast %add3A_207 : i32 to index
      %get3A_217 = arith.constant 16 : index
      %get3A_218 = tpu.vector_load %arg9[%get3A_216, %get3A_217] {strides = array<i32>} : memref<512x32xf32, #tpu.memory_space<vmem>>, vector<1x16xf32>,
      %get3A_219 = vector.shape_cast %get3A_218 : vector<1x16xf32> to vector<16xf32>
      %get3A_220 = arith.index_cast %add3A_207 : i32 to index
      %get3A_221 = arith.constant 16 : index
      %get3A_222 = tpu.vector_load %arg10[%get3A_220, %get3A_221] {strides = array<i32>} : memref<512x32xf32, #tpu.memory_space<vmem>>, vector<1x16xf32>,
      %get3A_223 = vector.shape_cast %get3A_222 : vector<1x16xf32> to vector<16xf32>
      %mul3A_224 = arith.mulf %get3A_219, %get3A_223 : vector<16xf32>
      %add3A_225 = arith.addf %mul3A_215, %mul3A_224 : vector<16xf32>
      %broadcast_in_dim3A_226 = vector.shape_cast %xor3A_185 : vector<16xi32> to vector<16x1xi32>
      %gather3A = vector.shape_cast %broadcast_in_dim3A_226 : vector<16x1xi32> to vector<16xi32>
      %gather3A_227 = tpu.dynamic_gather %add3A_225[%gather3A] in [0] : vector<16xf32>, vector<16xi32> -> vector<16xf32>
      %add3A_228 = arith.addf %add3A_225, %gather3A_227 : vector<16xf32>
      %broadcast_in_dim3A_229 = vector.shape_cast %xor3A_188 : vector<16xi32> to vector<16x1xi32>
      %gather3A_230 = vector.shape_cast %broadcast_in_dim3A_229 : vector<16x1xi32> to vector<16xi32>
      %gather3A_231 = tpu.dynamic_gather %add3A_228[%gather3A_230] in [0] : vector<16xf32>, vector<16xi32> -> vector<16xf32>
      %add3A_232 = arith.addf %add3A_228, %gather3A_231 : vector<16xf32>
      %broadcast_in_dim3A_233 = vector.shape_cast %xor3A_191 : vector<16xi32> to vector<16x1xi32>
      %gather3A_234 = vector.shape_cast %broadcast_in_dim3A_233 : vector<16x1xi32> to vector<16xi32>
      %gather3A_235 = tpu.dynamic_gather %add3A_232[%gather3A_234] in [0] : vector<16xf32>, vector<16xi32> -> vector<16xf32>
      %add3A_236 = arith.addf %add3A_232, %gather3A_235 : vector<16xf32>
      %broadcast_in_dim3A_237 = vector.shape_cast %xor3A_194 : vector<16xi32> to vector<16x1xi32>
      %gather3A_238 = vector.shape_cast %broadcast_in_dim3A_237 : vector<16x1xi32> to vector<16xi32>
      %gather3A_239 = tpu.dynamic_gather %add3A_236[%gather3A_238] in [0] : vector<16xf32>, vector<16xi32> -> vector<16xf32>
      %add3A_240 = arith.addf %add3A_236, %gather3A_239 : vector<16xf32>
      %eq3A = arith.constant 0 : i32
      %eq3A_241 = vector.broadcast %eq3A : i32 to vector<16xi32>
      %eq3A_242 = arith.cmpi eq, %iota3A, %eq3A_241 : vector<16xi32>
      %select_n3A = arith.select %eq3A_242, %add3A_240, %broadcast_in_dim3A_203 : vector<16xi1>, vector<16xf32>
      %mul3A_243 = arith.constant 16 : i32
      %mul3A_244 = arith.muli %scan3A_201, %mul3A_243 : i32
      %add3A_245 = arith.constant 1 : i32
      %add3A_246 = arith.addi %mul3A_244, %add3A_245 : i32
      %get3A_247 = arith.index_cast %add3A_246 : i32 to index
      %get3A_248 = arith.constant 0 : index
      %get3A_249 = tpu.vector_load %arg9[%get3A_247, %get3A_248] {strides = array<i32>} : memref<512x32xf32, #tpu.memory_space<vmem>>, vector<1x16xf32>,
      %get3A_250 = vector.shape_cast %get3A_249 : vector<1x16xf32> to vector<16xf32>
      %get3A_251 = arith.index_cast %add3A_246 : i32 to index
      %get3A_252 = arith.constant 0 : index
      %get3A_253 = tpu.vector_load %arg10[%get3A_251, %get3A_252] {strides = array<i32>} : memref<512x32xf32, #tpu.memory_space<vmem>>, vector<1x16xf32>,
      %get3A_254 = vector.shape_cast %get3A_253 : vector<1x16xf32> to vector<16xf32>
      %mul3A_255 = arith.mulf %get3A_250, %get3A_254 : vector<16xf32>
      %get3A_256 = arith.index_cast %add3A_246 : i32 to index
      %get3A_257 = arith.constant 16 : index
      %get3A_258 = tpu.vector_load %arg9[%get3A_256, %get3A_257] {strides = array<i32>} : memref<512x32xf32, #tpu.memory_space<vmem>>, vector<1x16xf32>,
      %get3A_259 = vector.shape_cast %get3A_258 : vector<1x16xf32> to vector<16xf32>
      %get3A_260 = arith.index_cast %add3A_246 : i32 to index
      %get3A_261 = arith.constant 16 : index
      %get3A_262 = tpu.vector_load %arg10[%get3A_260, %get3A_261] {strides = array<i32>} : memref<512x32xf32, #tpu.memory_space<vmem>>, vector<1x16xf32>,
      %get3A_263 = vector.shape_cast %get3A_262 : vector<1x16xf32> to vector<16xf32>
      %mul3A_264 = arith.mulf %get3A_259, %get3A_263 : vector<16xf32>
      %add3A_265 = arith.addf %mul3A_255, %mul3A_264 : vector<16xf32>
      %broadcast_in_dim3A_266 = vector.shape_cast %xor3A_185 : vector<16xi32> to vector<16x1xi32>
      %gather3A_267 = vector.shape_cast %broadcast_in_dim3A_266 : vector<16x1xi32> to vector<16xi32>
      %gather3A_268 = tpu.dynamic_gather %add3A_265[%gather3A_267] in [0] : vector<16xf32>, vector<16xi32> -> vector<16xf32>
      %add3A_269 = arith.addf %add3A_265, %gather3A_268 : vector<16xf32>
      %broadcast_in_dim3A_270 = vector.shape_cast %xor3A_188 : vector<16xi32> to vector<16x1xi32>
      %gather3A_271 = vector.shape_cast %broadcast_in_dim3A_270 : vector<16x1xi32> to vector<16xi32>
      %gather3A_272 = tpu.dynamic_gather %add3A_269[%gather3A_271] in [0] : vector<16xf32>, vector<16xi32> -> vector<16xf32>
      %add3A_273 = arith.addf %add3A_269, %gather3A_272 : vector<16xf32>
      %broadcast_in_dim3A_274 = vector.shape_cast %xor3A_191 : vector<16xi32> to vector<16x1xi32>
      %gather3A_275 = vector.shape_cast %broadcast_in_dim3A_274 : vector<16x1xi32> to vector<16xi32>
      %gather3A_276 = tpu.dynamic_gather %add3A_273[%gather3A_275] in [0] : vector<16xf32>, vector<16xi32> -> vector<16xf32>
      %add3A_277 = arith.addf %add3A_273, %gather3A_276 : vector<16xf32>
      %broadcast_in_dim3A_278 = vector.shape_cast %xor3A_194 : vector<16xi32> to vector<16x1xi32>
      %gather3A_279 = vector.shape_cast %broadcast_in_dim3A_278 : vector<16x1xi32> to vector<16xi32>
      %gather3A_280 = tpu.dynamic_gather %add3A_277[%gather3A_279] in [0] : vector<16xf32>, vector<16xi32> -> vector<16xf32>
      %add3A_281 = arith.addf %add3A_277, %gather3A_280 : vector<16xf32>
      %eq3A_282 = arith.constant 1 : i32
      %eq3A_283 = vector.broadcast %eq3A_282 : i32 to vector<16xi32>
      %eq3A_284 = arith.cmpi eq, %iota3A, %eq3A_283 : vector<16xi32>
      %select_n3A_285 = arith.select %eq3A_284, %add3A_281, %select_n3A : vector<16xi1>, vector<16xf32>
      %mul3A_286 = arith.constant 16 : i32
      %mul3A_287 = arith.muli %scan3A_201, %mul3A_286 : i32
      %add3A_288 = arith.constant 2 : i32
      %add3A_289 = arith.addi %mul3A_287, %add3A_288 : i32
      %get3A_290 = arith.index_cast %add3A_289 : i32 to index
      %get3A_291 = arith.constant 0 : index
      %get3A_292 = tpu.vector_load %arg9[%get3A_290, %get3A_291] {strides = array<i32>} : memref<512x32xf32, #tpu.memory_space<vmem>>, vector<1x16xf32>,
      %get3A_293 = vector.shape_cast %get3A_292 : vector<1x16xf32> to vector<16xf32>
      %get3A_294 = arith.index_cast %add3A_289 : i32 to index
      %get3A_295 = arith.constant 0 : index
      %get3A_296 = tpu.vector_load %arg10[%get3A_294, %get3A_295] {strides = array<i32>} : memref<512x32xf32, #tpu.memory_space<vmem>>, vector<1x16xf32>,
      %get3A_297 = vector.shape_cast %get3A_296 : vector<1x16xf32> to vector<16xf32>
      %mul3A_298 = arith.mulf %get3A_293, %get3A_297 : vector<16xf32>
      %get3A_299 = arith.index_cast %add3A_289 : i32 to index
      %get3A_300 = arith.constant 16 : index
      %get3A_301 = tpu.vector_load %arg9[%get3A_299, %get3A_300] {strides = array<i32>} : memref<512x32xf32, #tpu.memory_space<vmem>>, vector<1x16xf32>,
      %get3A_302 = vector.shape_cast %get3A_301 : vector<1x16xf32> to vector<16xf32>
      %get3A_303 = arith.index_cast %add3A_289 : i32 to index
      %get3A_304 = arith.constant 16 : index
      %get3A_305 = tpu.vector_load %arg10[%get3A_303, %get3A_304] {strides = array<i32>} : memref<512x32xf32, #tpu.memory_space<vmem>>, vector<1x16xf32>,
      %get3A_306 = vector.shape_cast %get3A_305 : vector<1x16xf32> to vector<16xf32>
      %mul3A_307 = arith.mulf %get3A_302, %get3A_306 : vector<16xf32>
      %add3A_308 = arith.addf %mul3A_298, %mul3A_307 : vector<16xf32>
      %broadcast_in_dim3A_309 = vector.shape_cast %xor3A_185 : vector<16xi32> to vector<16x1xi32>
      %gather3A_310 = vector.shape_cast %broadcast_in_dim3A_309 : vector<16x1xi32> to vector<16xi32>
      %gather3A_311 = tpu.dynamic_gather %add3A_308[%gather3A_310] in [0] : vector<16xf32>, vector<16xi32> -> vector<16xf32>
      %add3A_312 = arith.addf %add3A_308, %gather3A_311 : vector<16xf32>
      %broadcast_in_dim3A_313 = vector.shape_cast %xor3A_188 : vector<16xi32> to vector<16x1xi32>
      %gather3A_314 = vector.shape_cast %broadcast_in_dim3A_313 : vector<16x1xi32> to vector<16xi32>
      %gather3A_315 = tpu.dynamic_gather %add3A_312[%gather3A_314] in [0] : vector<16xf32>, vector<16xi32> -> vector<16xf32>
      %add3A_316 = arith.addf %add3A_312, %gather3A_315 : vector<16xf32>
      %broadcast_in_dim3A_317 = vector.shape_cast %xor3A_191 : vector<16xi32> to vector<16x1xi32>
      %gather3A_318 = vector.shape_cast %broadcast_in_dim3A_317 : vector<16x1xi32> to vector<16xi32>
      %gather3A_319 = tpu.dynamic_gather %add3A_316[%gather3A_318] in [0] : vector<16xf32>, vector<16xi32> -> vector<16xf32>
      %add3A_320 = arith.addf %add3A_316, %gather3A_319 : vector<16xf32>
      %broadcast_in_dim3A_321 = vector.shape_cast %xor3A_194 : vector<16xi32> to vector<16x1xi32>
      %gather3A_322 = vector.shape_cast %broadcast_in_dim3A_321 : vector<16x1xi32> to vector<16xi32>
      %gather3A_323 = tpu.dynamic_gather %add3A_320[%gather3A_322] in [0] : vector<16xf32>, vector<16xi32> -> vector<16xf32>
      %add3A_324 = arith.addf %add3A_320, %gather3A_323 : vector<16xf32>
      %eq3A_325 = arith.constant 2 : i32
      %eq3A_326 = vector.broadcast %eq3A_325 : i32 to vector<16xi32>
      %eq3A_327 = arith.cmpi eq, %iota3A, %eq3A_326 : vector<16xi32>
      %select_n3A_328 = arith.select %eq3A_327, %add3A_324, %select_n3A_285 : vector<16xi1>, vector<16xf32>
      %mul3A_329 = arith.constant 16 : i32
      %mul3A_330 = arith.muli %scan3A_201, %mul3A_329 : i32
      %add3A_331 = arith.constant 3 : i32
      %add3A_332 = arith.addi %mul3A_330, %add3A_331 : i32
      %get3A_333 = arith.index_cast %add3A_332 : i32 to index
      %get3A_334 = arith.constant 0 : index
      %get3A_335 = tpu.vector_load %arg9[%get3A_333, %get3A_334] {strides = array<i32>} : memref<512x32xf32, #tpu.memory_space<vmem>>, vector<1x16xf32>,
      %get3A_336 = vector.shape_cast %get3A_335 : vector<1x16xf32> to vector<16xf32>
      %get3A_337 = arith.index_cast %add3A_332 : i32 to index
      %get3A_338 = arith.constant 0 : index
      %get3A_339 = tpu.vector_load %arg10[%get3A_337, %get3A_338] {strides = array<i32>} : memref<512x32xf32, #tpu.memory_space<vmem>>, vector<1x16xf32>,
      %get3A_340 = vector.shape_cast %get3A_339 : vector<1x16xf32> to vector<16xf32>
      %mul3A_341 = arith.mulf %get3A_336, %get3A_340 : vector<16xf32>
      %get3A_342 = arith.index_cast %add3A_332 : i32 to index
      %get3A_343 = arith.constant 16 : index
      %get3A_344 = tpu.vector_load %arg9[%get3A_342, %get3A_343] {strides = array<i32>} : memref<512x32xf32, #tpu.memory_space<vmem>>, vector<1x16xf32>,
      %get3A_345 = vector.shape_cast %get3A_344 : vector<1x16xf32> to vector<16xf32>
      %get3A_346 = arith.index_cast %add3A_332 : i32 to index
      %get3A_347 = arith.constant 16 : index
      %get3A_348 = tpu.vector_load %arg10[%get3A_346, %get3A_347] {strides = array<i32>} : memref<512x32xf32, #tpu.memory_space<vmem>>, vector<1x16xf32>,
      %get3A_349 = vector.shape_cast %get3A_348 : vector<1x16xf32> to vector<16xf32>
      %mul3A_350 = arith.mulf %get3A_345, %get3A_349 : vector<16xf32>
      %add3A_351 = arith.addf %mul3A_341, %mul3A_350 : vector<16xf32>
      %broadcast_in_dim3A_352 = vector.shape_cast %xor3A_185 : vector<16xi32> to vector<16x1xi32>
      %gather3A_353 = vector.shape_cast %broadcast_in_dim3A_352 : vector<16x1xi32> to vector<16xi32>
      %gather3A_354 = tpu.dynamic_gather %add3A_351[%gather3A_353] in [0] : vector<16xf32>, vector<16xi32> -> vector<16xf32>
      %add3A_355 = arith.addf %add3A_351, %gather3A_354 : vector<16xf32>
      %broadcast_in_dim3A_356 = vector.shape_cast %xor3A_188 : vector<16xi32> to vector<16x1xi32>
      %gather3A_357 = vector.shape_cast %broadcast_in_dim3A_356 : vector<16x1xi32> to vector<16xi32>
      %gather3A_358 = tpu.dynamic_gather %add3A_355[%gather3A_357] in [0] : vector<16xf32>, vector<16xi32> -> vector<16xf32>
      %add3A_359 = arith.addf %add3A_355, %gather3A_358 : vector<16xf32>
      %broadcast_in_dim3A_360 = vector.shape_cast %xor3A_191 : vector<16xi32> to vector<16x1xi32>
      %gather3A_361 = vector.shape_cast %broadcast_in_dim3A_360 : vector<16x1xi32> to vector<16xi32>
      %gather3A_362 = tpu.dynamic_gather %add3A_359[%gather3A_361] in [0] : vector<16xf32>, vector<16xi32> -> vector<16xf32>
      %add3A_363 = arith.addf %add3A_359, %gather3A_362 : vector<16xf32>
      %broadcast_in_dim3A_364 = vector.shape_cast %xor3A_194 : vector<16xi32> to vector<16x1xi32>
      %gather3A_365 = vector.shape_cast %broadcast_in_dim3A_364 : vector<16x1xi32> to vector<16xi32>
      %gather3A_366 = tpu.dynamic_gather %add3A_363[%gather3A_365] in [0] : vector<16xf32>, vector<16xi32> -> vector<16xf32>
      %add3A_367 = arith.addf %add3A_363, %gather3A_366 : vector<16xf32>
      %eq3A_368 = arith.constant 3 : i32
      %eq3A_369 = vector.broadcast %eq3A_368 : i32 to vector<16xi32>
      %eq3A_370 = arith.cmpi eq, %iota3A, %eq3A_369 : vector<16xi32>
      %select_n3A_371 = arith.select %eq3A_370, %add3A_367, %select_n3A_328 : vector<16xi1>, vector<16xf32>
      %mul3A_372 = arith.constant 16 : i32
      %mul3A_373 = arith.muli %scan3A_201, %mul3A_372 : i32
      %add3A_374 = arith.constant 4 : i32
      %add3A_375 = arith.addi %mul3A_373, %add3A_374 : i32
      %get3A_376 = arith.index_cast %add3A_375 : i32 to index
      %get3A_377 = arith.constant 0 : index
      %get3A_378 = tpu.vector_load %arg9[%get3A_376, %get3A_377] {strides = array<i32>} : memref<512x32xf32, #tpu.memory_space<vmem>>, vector<1x16xf32>,
      %get3A_379 = vector.shape_cast %get3A_378 : vector<1x16xf32> to vector<16xf32>
      %get3A_380 = arith.index_cast %add3A_375 : i32 to index
      %get3A_381 = arith.constant 0 : index
      %get3A_382 = tpu.vector_load %arg10[%get3A_380, %get3A_381] {strides = array<i32>} : memref<512x32xf32, #tpu.memory_space<vmem>>, vector<1x16xf32>,
      %get3A_383 = vector.shape_cast %get3A_382 : vector<1x16xf32> to vector<16xf32>
      %mul3A_384 = arith.mulf %get3A_379, %get3A_383 : vector<16xf32>
      %get3A_385 = arith.index_cast %add3A_375 : i32 to index
      %get3A_386 = arith.constant 16 : index
      %get3A_387 = tpu.vector_load %arg9[%get3A_385, %get3A_386] {strides = array<i32>} : memref<512x32xf32, #tpu.memory_space<vmem>>, vector<1x16xf32>,
      %get3A_388 = vector.shape_cast %get3A_387 : vector<1x16xf32> to vector<16xf32>
      %get3A_389 = arith.index_cast %add3A_375 : i32 to index
      %get3A_390 = arith.constant 16 : index
      %get3A_391 = tpu.vector_load %arg10[%get3A_389, %get3A_390] {strides = array<i32>} : memref<512x32xf32, #tpu.memory_space<vmem>>, vector<1x16xf32>,
      %get3A_392 = vector.shape_cast %get3A_391 : vector<1x16xf32> to vector<16xf32>
      %mul3A_393 = arith.mulf %get3A_388, %get3A_392 : vector<16xf32>
      %add3A_394 = arith.addf %mul3A_384, %mul3A_393 : vector<16xf32>
      %broadcast_in_dim3A_395 = vector.shape_cast %xor3A_185 : vector<16xi32> to vector<16x1xi32>
      %gather3A_396 = vector.shape_cast %broadcast_in_dim3A_395 : vector<16x1xi32> to vector<16xi32>
      %gather3A_397 = tpu.dynamic_gather %add3A_394[%gather3A_396] in [0] : vector<16xf32>, vector<16xi32> -> vector<16xf32>
      %add3A_398 = arith.addf %add3A_394, %gather3A_397 : vector<16xf32>
      %broadcast_in_dim3A_399 = vector.shape_cast %xor3A_188 : vector<16xi32> to vector<16x1xi32>
      %gather3A_400 = vector.shape_cast %broadcast_in_dim3A_399 : vector<16x1xi32> to vector<16xi32>
      %gather3A_401 = tpu.dynamic_gather %add3A_398[%gather3A_400] in [0] : vector<16xf32>, vector<16xi32> -> vector<16xf32>
      %add3A_402 = arith.addf %add3A_398, %gather3A_401 : vector<16xf32>
      %broadcast_in_dim3A_403 = vector.shape_cast %xor3A_191 : vector<16xi32> to vector<16x1xi32>
      %gather3A_404 = vector.shape_cast %broadcast_in_dim3A_403 : vector<16x1xi32> to vector<16xi32>
      %gather3A_405 = tpu.dynamic_gather %add3A_402[%gather3A_404] in [0] : vector<16xf32>, vector<16xi32> -> vector<16xf32>
      %add3A_406 = arith.addf %add3A_402, %gather3A_405 : vector<16xf32>
      %broadcast_in_dim3A_407 = vector.shape_cast %xor3A_194 : vector<16xi32> to vector<16x1xi32>
      %gather3A_408 = vector.shape_cast %broadcast_in_dim3A_407 : vector<16x1xi32> to vector<16xi32>
      %gather3A_409 = tpu.dynamic_gather %add3A_406[%gather3A_408] in [0] : vector<16xf32>, vector<16xi32> -> vector<16xf32>
      %add3A_410 = arith.addf %add3A_406, %gather3A_409 : vector<16xf32>
      %eq3A_411 = arith.constant 4 : i32
      %eq3A_412 = vector.broadcast %eq3A_411 : i32 to vector<16xi32>
      %eq3A_413 = arith.cmpi eq, %iota3A, %eq3A_412 : vector<16xi32>
      %select_n3A_414 = arith.select %eq3A_413, %add3A_410, %select_n3A_371 : vector<16xi1>, vector<16xf32>
      %mul3A_415 = arith.constant 16 : i32
      %mul3A_416 = arith.muli %scan3A_201, %mul3A_415 : i32
      %add3A_417 = arith.constant 5 : i32
      %add3A_418 = arith.addi %mul3A_416, %add3A_417 : i32
      %get3A_419 = arith.index_cast %add3A_418 : i32 to index
      %get3A_420 = arith.constant 0 : index
      %get3A_421 = tpu.vector_load %arg9[%get3A_419, %get3A_420] {strides = array<i32>} : memref<512x32xf32, #tpu.memory_space<vmem>>, vector<1x16xf32>,
      %get3A_422 = vector.shape_cast %get3A_421 : vector<1x16xf32> to vector<16xf32>
      %get3A_423 = arith.index_cast %add3A_418 : i32 to index
      %get3A_424 = arith.constant 0 : index
      %get3A_425 = tpu.vector_load %arg10[%get3A_423, %get3A_424] {strides = array<i32>} : memref<512x32xf32, #tpu.memory_space<vmem>>, vector<1x16xf32>,
      %get3A_426 = vector.shape_cast %get3A_425 : vector<1x16xf32> to vector<16xf32>
      %mul3A_427 = arith.mulf %get3A_422, %get3A_426 : vector<16xf32>
      %get3A_428 = arith.index_cast %add3A_418 : i32 to index
      %get3A_429 = arith.constant 16 : index
      %get3A_430 = tpu.vector_load %arg9[%get3A_428, %get3A_429] {strides = array<i32>} : memref<512x32xf32, #tpu.memory_space<vmem>>, vector<1x16xf32>,
      %get3A_431 = vector.shape_cast %get3A_430 : vector<1x16xf32> to vector<16xf32>
      %get3A_432 = arith.index_cast %add3A_418 : i32 to index
      %get3A_433 = arith.constant 16 : index
      %get3A_434 = tpu.vector_load %arg10[%get3A_432, %get3A_433] {strides = array<i32>} : memref<512x32xf32, #tpu.memory_space<vmem>>, vector<1x16xf32>,
      %get3A_435 = vector.shape_cast %get3A_434 : vector<1x16xf32> to vector<16xf32>
      %mul3A_436 = arith.mulf %get3A_431, %get3A_435 : vector<16xf32>
      %add3A_437 = arith.addf %mul3A_427, %mul3A_436 : vector<16xf32>
      %broadcast_in_dim3A_438 = vector.shape_cast %xor3A_185 : vector<16xi32> to vector<16x1xi32>
      %gather3A_439 = vector.shape_cast %broadcast_in_dim3A_438 : vector<16x1xi32> to vector<16xi32>
      %gather3A_440 = tpu.dynamic_gather %add3A_437[%gather3A_439] in [0] : vector<16xf32>, vector<16xi32> -> vector<16xf32>
      %add3A_441 = arith.addf %add3A_437, %gather3A_440 : vector<16xf32>
      %broadcast_in_dim3A_442 = vector.shape_cast %xor3A_188 : vector<16xi32> to vector<16x1xi32>
      %gather3A_443 = vector.shape_cast %broadcast_in_dim3A_442 : vector<16x1xi32> to vector<16xi32>
      %gather3A_444 = tpu.dynamic_gather %add3A_441[%gather3A_443] in [0] : vector<16xf32>, vector<16xi32> -> vector<16xf32>
      %add3A_445 = arith.addf %add3A_441, %gather3A_444 : vector<16xf32>
      %broadcast_in_dim3A_446 = vector.shape_cast %xor3A_191 : vector<16xi32> to vector<16x1xi32>
      %gather3A_447 = vector.shape_cast %broadcast_in_dim3A_446 : vector<16x1xi32> to vector<16xi32>
      %gather3A_448 = tpu.dynamic_gather %add3A_445[%gather3A_447] in [0] : vector<16xf32>, vector<16xi32> -> vector<16xf32>
      %add3A_449 = arith.addf %add3A_445, %gather3A_448 : vector<16xf32>
      %broadcast_in_dim3A_450 = vector.shape_cast %xor3A_194 : vector<16xi32> to vector<16x1xi32>
      %gather3A_451 = vector.shape_cast %broadcast_in_dim3A_450 : vector<16x1xi32> to vector<16xi32>
      %gather3A_452 = tpu.dynamic_gather %add3A_449[%gather3A_451] in [0] : vector<16xf32>, vector<16xi32> -> vector<16xf32>
      %add3A_453 = arith.addf %add3A_449, %gather3A_452 : vector<16xf32>
      %eq3A_454 = arith.constant 5 : i32
      %eq3A_455 = vector.broadcast %eq3A_454 : i32 to vector<16xi32>
      %eq3A_456 = arith.cmpi eq, %iota3A, %eq3A_455 : vector<16xi32>
      %select_n3A_457 = arith.select %eq3A_456, %add3A_453, %select_n3A_414 : vector<16xi1>, vector<16xf32>
      %mul3A_458 = arith.constant 16 : i32
      %mul3A_459 = arith.muli %scan3A_201, %mul3A_458 : i32
      %add3A_460 = arith.constant 6 : i32
      %add3A_461 = arith.addi %mul3A_459, %add3A_460 : i32
      %get3A_462 = arith.index_cast %add3A_461 : i32 to index
      %get3A_463 = arith.constant 0 : index
      %get3A_464 = tpu.vector_load %arg9[%get3A_462, %get3A_463] {strides = array<i32>} : memref<512x32xf32, #tpu.memory_space<vmem>>, vector<1x16xf32>,
      %get3A_465 = vector.shape_cast %get3A_464 : vector<1x16xf32> to vector<16xf32>
      %get3A_466 = arith.index_cast %add3A_461 : i32 to index
      %get3A_467 = arith.constant 0 : index
      %get3A_468 = tpu.vector_load %arg10[%get3A_466, %get3A_467] {strides = array<i32>} : memref<512x32xf32, #tpu.memory_space<vmem>>, vector<1x16xf32>,
      %get3A_469 = vector.shape_cast %get3A_468 : vector<1x16xf32> to vector<16xf32>
      %mul3A_470 = arith.mulf %get3A_465, %get3A_469 : vector<16xf32>
      %get3A_471 = arith.index_cast %add3A_461 : i32 to index
      %get3A_472 = arith.constant 16 : index
      %get3A_473 = tpu.vector_load %arg9[%get3A_471, %get3A_472] {strides = array<i32>} : memref<512x32xf32, #tpu.memory_space<vmem>>, vector<1x16xf32>,
      %get3A_474 = vector.shape_cast %get3A_473 : vector<1x16xf32> to vector<16xf32>
      %get3A_475 = arith.index_cast %add3A_461 : i32 to index
      %get3A_476 = arith.constant 16 : index
      %get3A_477 = tpu.vector_load %arg10[%get3A_475, %get3A_476] {strides = array<i32>} : memref<512x32xf32, #tpu.memory_space<vmem>>, vector<1x16xf32>,
      %get3A_478 = vector.shape_cast %get3A_477 : vector<1x16xf32> to vector<16xf32>
      %mul3A_479 = arith.mulf %get3A_474, %get3A_478 : vector<16xf32>
      %add3A_480 = arith.addf %mul3A_470, %mul3A_479 : vector<16xf32>
      %broadcast_in_dim3A_481 = vector.shape_cast %xor3A_185 : vector<16xi32> to vector<16x1xi32>
      %gather3A_482 = vector.shape_cast %broadcast_in_dim3A_481 : vector<16x1xi32> to vector<16xi32>
      %gather3A_483 = tpu.dynamic_gather %add3A_480[%gather3A_482] in [0] : vector<16xf32>, vector<16xi32> -> vector<16xf32>
      %add3A_484 = arith.addf %add3A_480, %gather3A_483 : vector<16xf32>
      %broadcast_in_dim3A_485 = vector.shape_cast %xor3A_188 : vector<16xi32> to vector<16x1xi32>
      %gather3A_486 = vector.shape_cast %broadcast_in_dim3A_485 : vector<16x1xi32> to vector<16xi32>
      %gather3A_487 = tpu.dynamic_gather %add3A_484[%gather3A_486] in [0] : vector<16xf32>, vector<16xi32> -> vector<16xf32>
      %add3A_488 = arith.addf %add3A_484, %gather3A_487 : vector<16xf32>
      %broadcast_in_dim3A_489 = vector.shape_cast %xor3A_191 : vector<16xi32> to vector<16x1xi32>
      %gather3A_490 = vector.shape_cast %broadcast_in_dim3A_489 : vector<16x1xi32> to vector<16xi32>
      %gather3A_491 = tpu.dynamic_gather %add3A_488[%gather3A_490] in [0] : vector<16xf32>, vector<16xi32> -> vector<16xf32>
      %add3A_492 = arith.addf %add3A_488, %gather3A_491 : vector<16xf32>
      %broadcast_in_dim3A_493 = vector.shape_cast %xor3A_194 : vector<16xi32> to vector<16x1xi32>
      %gather3A_494 = vector.shape_cast %broadcast_in_dim3A_493 : vector<16x1xi32> to vector<16xi32>
      %gather3A_495 = tpu.dynamic_gather %add3A_492[%gather3A_494] in [0] : vector<16xf32>, vector<16xi32> -> vector<16xf32>
      %add3A_496 = arith.addf %add3A_492, %gather3A_495 : vector<16xf32>
      %eq3A_497 = arith.constant 6 : i32
      %eq3A_498 = vector.broadcast %eq3A_497 : i32 to vector<16xi32>
      %eq3A_499 = arith.cmpi eq, %iota3A, %eq3A_498 : vector<16xi32>
      %select_n3A_500 = arith.select %eq3A_499, %add3A_496, %select_n3A_457 : vector<16xi1>, vector<16xf32>
      %mul3A_501 = arith.constant 16 : i32
      %mul3A_502 = arith.muli %scan3A_201, %mul3A_501 : i32
      %add3A_503 = arith.constant 7 : i32
      %add3A_504 = arith.addi %mul3A_502, %add3A_503 : i32
      %get3A_505 = arith.index_cast %add3A_504 : i32 to index
      %get3A_506 = arith.constant 0 : index
      %get3A_507 = tpu.vector_load %arg9[%get3A_505, %get3A_506] {strides = array<i32>} : memref<512x32xf32, #tpu.memory_space<vmem>>, vector<1x16xf32>,
      %get3A_508 = vector.shape_cast %get3A_507 : vector<1x16xf32> to vector<16xf32>
      %get3A_509 = arith.index_cast %add3A_504 : i32 to index
      %get3A_510 = arith.constant 0 : index
      %get3A_511 = tpu.vector_load %arg10[%get3A_509, %get3A_510] {strides = array<i32>} : memref<512x32xf32, #tpu.memory_space<vmem>>, vector<1x16xf32>,
      %get3A_512 = vector.shape_cast %get3A_511 : vector<1x16xf32> to vector<16xf32>
      %mul3A_513 = arith.mulf %get3A_508, %get3A_512 : vector<16xf32>
      %get3A_514 = arith.index_cast %add3A_504 : i32 to index
      %get3A_515 = arith.constant 16 : index
      %get3A_516 = tpu.vector_load %arg9[%get3A_514, %get3A_515] {strides = array<i32>} : memref<512x32xf32, #tpu.memory_space<vmem>>, vector<1x16xf32>,
      %get3A_517 = vector.shape_cast %get3A_516 : vector<1x16xf32> to vector<16xf32>
      %get3A_518 = arith.index_cast %add3A_504 : i32 to index
      %get3A_519 = arith.constant 16 : index
      %get3A_520 = tpu.vector_load %arg10[%get3A_518, %get3A_519] {strides = array<i32>} : memref<512x32xf32, #tpu.memory_space<vmem>>, vector<1x16xf32>,
      %get3A_521 = vector.shape_cast %get3A_520 : vector<1x16xf32> to vector<16xf32>
      %mul3A_522 = arith.mulf %get3A_517, %get3A_521 : vector<16xf32>
      %add3A_523 = arith.addf %mul3A_513, %mul3A_522 : vector<16xf32>
      %broadcast_in_dim3A_524 = vector.shape_cast %xor3A_185 : vector<16xi32> to vector<16x1xi32>
      %gather3A_525 = vector.shape_cast %broadcast_in_dim3A_524 : vector<16x1xi32> to vector<16xi32>
      %gather3A_526 = tpu.dynamic_gather %add3A_523[%gather3A_525] in [0] : vector<16xf32>, vector<16xi32> -> vector<16xf32>
      %add3A_527 = arith.addf %add3A_523, %gather3A_526 : vector<16xf32>
      %broadcast_in_dim3A_528 = vector.shape_cast %xor3A_188 : vector<16xi32> to vector<16x1xi32>
      %gather3A_529 = vector.shape_cast %broadcast_in_dim3A_528 : vector<16x1xi32> to vector<16xi32>
      %gather3A_530 = tpu.dynamic_gather %add3A_527[%gather3A_529] in [0] : vector<16xf32>, vector<16xi32> -> vector<16xf32>
      %add3A_531 = arith.addf %add3A_527, %gather3A_530 : vector<16xf32>
      %broadcast_in_dim3A_532 = vector.shape_cast %xor3A_191 : vector<16xi32> to vector<16x1xi32>
      %gather3A_533 = vector.shape_cast %broadcast_in_dim3A_532 : vector<16x1xi32> to vector<16xi32>
      %gather3A_534 = tpu.dynamic_gather %add3A_531[%gather3A_533] in [0] : vector<16xf32>, vector<16xi32> -> vector<16xf32>
      %add3A_535 = arith.addf %add3A_531, %gather3A_534 : vector<16xf32>
      %broadcast_in_dim3A_536 = vector.shape_cast %xor3A_194 : vector<16xi32> to vector<16x1xi32>
      %gather3A_537 = vector.shape_cast %broadcast_in_dim3A_536 : vector<16x1xi32> to vector<16xi32>
      %gather3A_538 = tpu.dynamic_gather %add3A_535[%gather3A_537] in [0] : vector<16xf32>, vector<16xi32> -> vector<16xf32>
      %add3A_539 = arith.addf %add3A_535, %gather3A_538 : vector<16xf32>
      %eq3A_540 = arith.constant 7 : i32
      %eq3A_541 = vector.broadcast %eq3A_540 : i32 to vector<16xi32>
      %eq3A_542 = arith.cmpi eq, %iota3A, %eq3A_541 : vector<16xi32>
      %select_n3A_543 = arith.select %eq3A_542, %add3A_539, %select_n3A_500 : vector<16xi1>, vector<16xf32>
      %mul3A_544 = arith.constant 16 : i32
      %mul3A_545 = arith.muli %scan3A_201, %mul3A_544 : i32
      %add3A_546 = arith.constant 8 : i32
      %add3A_547 = arith.addi %mul3A_545, %add3A_546 : i32
      %get3A_548 = arith.index_cast %add3A_547 : i32 to index
      %get3A_549 = arith.constant 0 : index
      %get3A_550 = tpu.vector_load %arg9[%get3A_548, %get3A_549] {strides = array<i32>} : memref<512x32xf32, #tpu.memory_space<vmem>>, vector<1x16xf32>,
      %get3A_551 = vector.shape_cast %get3A_550 : vector<1x16xf32> to vector<16xf32>
      %get3A_552 = arith.index_cast %add3A_547 : i32 to index
      %get3A_553 = arith.constant 0 : index
      %get3A_554 = tpu.vector_load %arg10[%get3A_552, %get3A_553] {strides = array<i32>} : memref<512x32xf32, #tpu.memory_space<vmem>>, vector<1x16xf32>,
      %get3A_555 = vector.shape_cast %get3A_554 : vector<1x16xf32> to vector<16xf32>
      %mul3A_556 = arith.mulf %get3A_551, %get3A_555 : vector<16xf32>
      %get3A_557 = arith.index_cast %add3A_547 : i32 to index
      %get3A_558 = arith.constant 16 : index
      %get3A_559 = tpu.vector_load %arg9[%get3A_557, %get3A_558] {strides = array<i32>} : memref<512x32xf32, #tpu.memory_space<vmem>>, vector<1x16xf32>,
      %get3A_560 = vector.shape_cast %get3A_559 : vector<1x16xf32> to vector<16xf32>
      %get3A_561 = arith.index_cast %add3A_547 : i32 to index
      %get3A_562 = arith.constant 16 : index
      %get3A_563 = tpu.vector_load %arg10[%get3A_561, %get3A_562] {strides = array<i32>} : memref<512x32xf32, #tpu.memory_space<vmem>>, vector<1x16xf32>,
      %get3A_564 = vector.shape_cast %get3A_563 : vector<1x16xf32> to vector<16xf32>
      %mul3A_565 = arith.mulf %get3A_560, %get3A_564 : vector<16xf32>
      %add3A_566 = arith.addf %mul3A_556, %mul3A_565 : vector<16xf32>
      %broadcast_in_dim3A_567 = vector.shape_cast %xor3A_185 : vector<16xi32> to vector<16x1xi32>
      %gather3A_568 = vector.shape_cast %broadcast_in_dim3A_567 : vector<16x1xi32> to vector<16xi32>
      %gather3A_569 = tpu.dynamic_gather %add3A_566[%gather3A_568] in [0] : vector<16xf32>, vector<16xi32> -> vector<16xf32>
      %add3A_570 = arith.addf %add3A_566, %gather3A_569 : vector<16xf32>
      %broadcast_in_dim3A_571 = vector.shape_cast %xor3A_188 : vector<16xi32> to vector<16x1xi32>
      %gather3A_572 = vector.shape_cast %broadcast_in_dim3A_571 : vector<16x1xi32> to vector<16xi32>
      %gather3A_573 = tpu.dynamic_gather %add3A_570[%gather3A_572] in [0] : vector<16xf32>, vector<16xi32> -> vector<16xf32>
      %add3A_574 = arith.addf %add3A_570, %gather3A_573 : vector<16xf32>
      %broadcast_in_dim3A_575 = vector.shape_cast %xor3A_191 : vector<16xi32> to vector<16x1xi32>
      %gather3A_576 = vector.shape_cast %broadcast_in_dim3A_575 : vector<16x1xi32> to vector<16xi32>
      %gather3A_577 = tpu.dynamic_gather %add3A_574[%gather3A_576] in [0] : vector<16xf32>, vector<16xi32> -> vector<16xf32>
      %add3A_578 = arith.addf %add3A_574, %gather3A_577 : vector<16xf32>
      %broadcast_in_dim3A_579 = vector.shape_cast %xor3A_194 : vector<16xi32> to vector<16x1xi32>
      %gather3A_580 = vector.shape_cast %broadcast_in_dim3A_579 : vector<16x1xi32> to vector<16xi32>
      %gather3A_581 = tpu.dynamic_gather %add3A_578[%gather3A_580] in [0] : vector<16xf32>, vector<16xi32> -> vector<16xf32>
      %add3A_582 = arith.addf %add3A_578, %gather3A_581 : vector<16xf32>
      %eq3A_583 = arith.constant 8 : i32
      %eq3A_584 = vector.broadcast %eq3A_583 : i32 to vector<16xi32>
      %eq3A_585 = arith.cmpi eq, %iota3A, %eq3A_584 : vector<16xi32>
      %select_n3A_586 = arith.select %eq3A_585, %add3A_582, %select_n3A_543 : vector<16xi1>, vector<16xf32>
      %mul3A_587 = arith.constant 16 : i32
      %mul3A_588 = arith.muli %scan3A_201, %mul3A_587 : i32
      %add3A_589 = arith.constant 9 : i32
      %add3A_590 = arith.addi %mul3A_588, %add3A_589 : i32
      %get3A_591 = arith.index_cast %add3A_590 : i32 to index
      %get3A_592 = arith.constant 0 : index
      %get3A_593 = tpu.vector_load %arg9[%get3A_591, %get3A_592] {strides = array<i32>} : memref<512x32xf32, #tpu.memory_space<vmem>>, vector<1x16xf32>,
      %get3A_594 = vector.shape_cast %get3A_593 : vector<1x16xf32> to vector<16xf32>
      %get3A_595 = arith.index_cast %add3A_590 : i32 to index
      %get3A_596 = arith.constant 0 : index
      %get3A_597 = tpu.vector_load %arg10[%get3A_595, %get3A_596] {strides = array<i32>} : memref<512x32xf32, #tpu.memory_space<vmem>>, vector<1x16xf32>,
      %get3A_598 = vector.shape_cast %get3A_597 : vector<1x16xf32> to vector<16xf32>
      %mul3A_599 = arith.mulf %get3A_594, %get3A_598 : vector<16xf32>
      %get3A_600 = arith.index_cast %add3A_590 : i32 to index
      %get3A_601 = arith.constant 16 : index
      %get3A_602 = tpu.vector_load %arg9[%get3A_600, %get3A_601] {strides = array<i32>} : memref<512x32xf32, #tpu.memory_space<vmem>>, vector<1x16xf32>,
      %get3A_603 = vector.shape_cast %get3A_602 : vector<1x16xf32> to vector<16xf32>
      %get3A_604 = arith.index_cast %add3A_590 : i32 to index
      %get3A_605 = arith.constant 16 : index
      %get3A_606 = tpu.vector_load %arg10[%get3A_604, %get3A_605] {strides = array<i32>} : memref<512x32xf32, #tpu.memory_space<vmem>>, vector<1x16xf32>,
      %get3A_607 = vector.shape_cast %get3A_606 : vector<1x16xf32> to vector<16xf32>
      %mul3A_608 = arith.mulf %get3A_603, %get3A_607 : vector<16xf32>
      %add3A_609 = arith.addf %mul3A_599, %mul3A_608 : vector<16xf32>
      %broadcast_in_dim3A_610 = vector.shape_cast %xor3A_185 : vector<16xi32> to vector<16x1xi32>
      %gather3A_611 = vector.shape_cast %broadcast_in_dim3A_610 : vector<16x1xi32> to vector<16xi32>
      %gather3A_612 = tpu.dynamic_gather %add3A_609[%gather3A_611] in [0] : vector<16xf32>, vector<16xi32> -> vector<16xf32>
      %add3A_613 = arith.addf %add3A_609, %gather3A_612 : vector<16xf32>
      %broadcast_in_dim3A_614 = vector.shape_cast %xor3A_188 : vector<16xi32> to vector<16x1xi32>
      %gather3A_615 = vector.shape_cast %broadcast_in_dim3A_614 : vector<16x1xi32> to vector<16xi32>
      %gather3A_616 = tpu.dynamic_gather %add3A_613[%gather3A_615] in [0] : vector<16xf32>, vector<16xi32> -> vector<16xf32>
      %add3A_617 = arith.addf %add3A_613, %gather3A_616 : vector<16xf32>
      %broadcast_in_dim3A_618 = vector.shape_cast %xor3A_191 : vector<16xi32> to vector<16x1xi32>
      %gather3A_619 = vector.shape_cast %broadcast_in_dim3A_618 : vector<16x1xi32> to vector<16xi32>
      %gather3A_620 = tpu.dynamic_gather %add3A_617[%gather3A_619] in [0] : vector<16xf32>, vector<16xi32> -> vector<16xf32>
      %add3A_621 = arith.addf %add3A_617, %gather3A_620 : vector<16xf32>
      %broadcast_in_dim3A_622 = vector.shape_cast %xor3A_194 : vector<16xi32> to vector<16x1xi32>
      %gather3A_623 = vector.shape_cast %broadcast_in_dim3A_622 : vector<16x1xi32> to vector<16xi32>
      %gather3A_624 = tpu.dynamic_gather %add3A_621[%gather3A_623] in [0] : vector<16xf32>, vector<16xi32> -> vector<16xf32>
      %add3A_625 = arith.addf %add3A_621, %gather3A_624 : vector<16xf32>
      %eq3A_626 = arith.constant 9 : i32
      %eq3A_627 = vector.broadcast %eq3A_626 : i32 to vector<16xi32>
      %eq3A_628 = arith.cmpi eq, %iota3A, %eq3A_627 : vector<16xi32>
      %select_n3A_629 = arith.select %eq3A_628, %add3A_625, %select_n3A_586 : vector<16xi1>, vector<16xf32>
      %mul3A_630 = arith.constant 16 : i32
      %mul3A_631 = arith.muli %scan3A_201, %mul3A_630 : i32
      %add3A_632 = arith.constant 10 : i32
      %add3A_633 = arith.addi %mul3A_631, %add3A_632 : i32
      %get3A_634 = arith.index_cast %add3A_633 : i32 to index
      %get3A_635 = arith.constant 0 : index
      %get3A_636 = tpu.vector_load %arg9[%get3A_634, %get3A_635] {strides = array<i32>} : memref<512x32xf32, #tpu.memory_space<vmem>>, vector<1x16xf32>,
      %get3A_637 = vector.shape_cast %get3A_636 : vector<1x16xf32> to vector<16xf32>
      %get3A_638 = arith.index_cast %add3A_633 : i32 to index
      %get3A_639 = arith.constant 0 : index
      %get3A_640 = tpu.vector_load %arg10[%get3A_638, %get3A_639] {strides = array<i32>} : memref<512x32xf32, #tpu.memory_space<vmem>>, vector<1x16xf32>,
      %get3A_641 = vector.shape_cast %get3A_640 : vector<1x16xf32> to vector<16xf32>
      %mul3A_642 = arith.mulf %get3A_637, %get3A_641 : vector<16xf32>
      %get3A_643 = arith.index_cast %add3A_633 : i32 to index
      %get3A_644 = arith.constant 16 : index
      %get3A_645 = tpu.vector_load %arg9[%get3A_643, %get3A_644] {strides = array<i32>} : memref<512x32xf32, #tpu.memory_space<vmem>>, vector<1x16xf32>,
      %get3A_646 = vector.shape_cast %get3A_645 : vector<1x16xf32> to vector<16xf32>
      %get3A_647 = arith.index_cast %add3A_633 : i32 to index
      %get3A_648 = arith.constant 16 : index
      %get3A_649 = tpu.vector_load %arg10[%get3A_647, %get3A_648] {strides = array<i32>} : memref<512x32xf32, #tpu.memory_space<vmem>>, vector<1x16xf32>,
      %get3A_650 = vector.shape_cast %get3A_649 : vector<1x16xf32> to vector<16xf32>
      %mul3A_651 = arith.mulf %get3A_646, %get3A_650 : vector<16xf32>
      %add3A_652 = arith.addf %mul3A_642, %mul3A_651 : vector<16xf32>
      %broadcast_in_dim3A_653 = vector.shape_cast %xor3A_185 : vector<16xi32> to vector<16x1xi32>
      %gather3A_654 = vector.shape_cast %broadcast_in_dim3A_653 : vector<16x1xi32> to vector<16xi32>
      %gather3A_655 = tpu.dynamic_gather %add3A_652[%gather3A_654] in [0] : vector<16xf32>, vector<16xi32> -> vector<16xf32>
      %add3A_656 = arith.addf %add3A_652, %gather3A_655 : vector<16xf32>
      %broadcast_in_dim3A_657 = vector.shape_cast %xor3A_188 : vector<16xi32> to vector<16x1xi32>
      %gather3A_658 = vector.shape_cast %broadcast_in_dim3A_657 : vector<16x1xi32> to vector<16xi32>
      %gather3A_659 = tpu.dynamic_gather %add3A_656[%gather3A_658] in [0] : vector<16xf32>, vector<16xi32> -> vector<16xf32>
      %add3A_660 = arith.addf %add3A_656, %gather3A_659 : vector<16xf32>
      %broadcast_in_dim3A_661 = vector.shape_cast %xor3A_191 : vector<16xi32> to vector<16x1xi32>
      %gather3A_662 = vector.shape_cast %broadcast_in_dim3A_661 : vector<16x1xi32> to vector<16xi32>
      %gather3A_663 = tpu.dynamic_gather %add3A_660[%gather3A_662] in [0] : vector<16xf32>, vector<16xi32> -> vector<16xf32>
      %add3A_664 = arith.addf %add3A_660, %gather3A_663 : vector<16xf32>
      %broadcast_in_dim3A_665 = vector.shape_cast %xor3A_194 : vector<16xi32> to vector<16x1xi32>
      %gather3A_666 = vector.shape_cast %broadcast_in_dim3A_665 : vector<16x1xi32> to vector<16xi32>
      %gather3A_667 = tpu.dynamic_gather %add3A_664[%gather3A_666] in [0] : vector<16xf32>, vector<16xi32> -> vector<16xf32>
      %add3A_668 = arith.addf %add3A_664, %gather3A_667 : vector<16xf32>
      %eq3A_669 = arith.constant 10 : i32
      %eq3A_670 = vector.broadcast %eq3A_669 : i32 to vector<16xi32>
      %eq3A_671 = arith.cmpi eq, %iota3A, %eq3A_670 : vector<16xi32>
      %select_n3A_672 = arith.select %eq3A_671, %add3A_668, %select_n3A_629 : vector<16xi1>, vector<16xf32>
      %mul3A_673 = arith.constant 16 : i32
      %mul3A_674 = arith.muli %scan3A_201, %mul3A_673 : i32
      %add3A_675 = arith.constant 11 : i32
      %add3A_676 = arith.addi %mul3A_674, %add3A_675 : i32
      %get3A_677 = arith.index_cast %add3A_676 : i32 to index
      %get3A_678 = arith.constant 0 : index
      %get3A_679 = tpu.vector_load %arg9[%get3A_677, %get3A_678] {strides = array<i32>} : memref<512x32xf32, #tpu.memory_space<vmem>>, vector<1x16xf32>,
      %get3A_680 = vector.shape_cast %get3A_679 : vector<1x16xf32> to vector<16xf32>
      %get3A_681 = arith.index_cast %add3A_676 : i32 to index
      %get3A_682 = arith.constant 0 : index
      %get3A_683 = tpu.vector_load %arg10[%get3A_681, %get3A_682] {strides = array<i32>} : memref<512x32xf32, #tpu.memory_space<vmem>>, vector<1x16xf32>,
      %get3A_684 = vector.shape_cast %get3A_683 : vector<1x16xf32> to vector<16xf32>
      %mul3A_685 = arith.mulf %get3A_680, %get3A_684 : vector<16xf32>
      %get3A_686 = arith.index_cast %add3A_676 : i32 to index
      %get3A_687 = arith.constant 16 : index
      %get3A_688 = tpu.vector_load %arg9[%get3A_686, %get3A_687] {strides = array<i32>} : memref<512x32xf32, #tpu.memory_space<vmem>>, vector<1x16xf32>,
      %get3A_689 = vector.shape_cast %get3A_688 : vector<1x16xf32> to vector<16xf32>
      %get3A_690 = arith.index_cast %add3A_676 : i32 to index
      %get3A_691 = arith.constant 16 : index
      %get3A_692 = tpu.vector_load %arg10[%get3A_690, %get3A_691] {strides = array<i32>} : memref<512x32xf32, #tpu.memory_space<vmem>>, vector<1x16xf32>,
      %get3A_693 = vector.shape_cast %get3A_692 : vector<1x16xf32> to vector<16xf32>
      %mul3A_694 = arith.mulf %get3A_689, %get3A_693 : vector<16xf32>
      %add3A_695 = arith.addf %mul3A_685, %mul3A_694 : vector<16xf32>
      %broadcast_in_dim3A_696 = vector.shape_cast %xor3A_185 : vector<16xi32> to vector<16x1xi32>
      %gather3A_697 = vector.shape_cast %broadcast_in_dim3A_696 : vector<16x1xi32> to vector<16xi32>
      %gather3A_698 = tpu.dynamic_gather %add3A_695[%gather3A_697] in [0] : vector<16xf32>, vector<16xi32> -> vector<16xf32>
      %add3A_699 = arith.addf %add3A_695, %gather3A_698 : vector<16xf32>
      %broadcast_in_dim3A_700 = vector.shape_cast %xor3A_188 : vector<16xi32> to vector<16x1xi32>
      %gather3A_701 = vector.shape_cast %broadcast_in_dim3A_700 : vector<16x1xi32> to vector<16xi32>
      %gather3A_702 = tpu.dynamic_gather %add3A_699[%gather3A_701] in [0] : vector<16xf32>, vector<16xi32> -> vector<16xf32>
      %add3A_703 = arith.addf %add3A_699, %gather3A_702 : vector<16xf32>
      %broadcast_in_dim3A_704 = vector.shape_cast %xor3A_191 : vector<16xi32> to vector<16x1xi32>
      %gather3A_705 = vector.shape_cast %broadcast_in_dim3A_704 : vector<16x1xi32> to vector<16xi32>
      %gather3A_706 = tpu.dynamic_gather %add3A_703[%gather3A_705] in [0] : vector<16xf32>, vector<16xi32> -> vector<16xf32>
      %add3A_707 = arith.addf %add3A_703, %gather3A_706 : vector<16xf32>
      %broadcast_in_dim3A_708 = vector.shape_cast %xor3A_194 : vector<16xi32> to vector<16x1xi32>
      %gather3A_709 = vector.shape_cast %broadcast_in_dim3A_708 : vector<16x1xi32> to vector<16xi32>
      %gather3A_710 = tpu.dynamic_gather %add3A_707[%gather3A_709] in [0] : vector<16xf32>, vector<16xi32> -> vector<16xf32>
      %add3A_711 = arith.addf %add3A_707, %gather3A_710 : vector<16xf32>
      %eq3A_712 = arith.constant 11 : i32
      %eq3A_713 = vector.broadcast %eq3A_712 : i32 to vector<16xi32>
      %eq3A_714 = arith.cmpi eq, %iota3A, %eq3A_713 : vector<16xi32>
      %select_n3A_715 = arith.select %eq3A_714, %add3A_711, %select_n3A_672 : vector<16xi1>, vector<16xf32>
      %mul3A_716 = arith.constant 16 : i32
      %mul3A_717 = arith.muli %scan3A_201, %mul3A_716 : i32
      %add3A_718 = arith.constant 12 : i32
      %add3A_719 = arith.addi %mul3A_717, %add3A_718 : i32
      %get3A_720 = arith.index_cast %add3A_719 : i32 to index
      %get3A_721 = arith.constant 0 : index
      %get3A_722 = tpu.vector_load %arg9[%get3A_720, %get3A_721] {strides = array<i32>} : memref<512x32xf32, #tpu.memory_space<vmem>>, vector<1x16xf32>,
      %get3A_723 = vector.shape_cast %get3A_722 : vector<1x16xf32> to vector<16xf32>
      %get3A_724 = arith.index_cast %add3A_719 : i32 to index
      %get3A_725 = arith.constant 0 : index
      %get3A_726 = tpu.vector_load %arg10[%get3A_724, %get3A_725] {strides = array<i32>} : memref<512x32xf32, #tpu.memory_space<vmem>>, vector<1x16xf32>,
      %get3A_727 = vector.shape_cast %get3A_726 : vector<1x16xf32> to vector<16xf32>
      %mul3A_728 = arith.mulf %get3A_723, %get3A_727 : vector<16xf32>
      %get3A_729 = arith.index_cast %add3A_719 : i32 to index
      %get3A_730 = arith.constant 16 : index
      %get3A_731 = tpu.vector_load %arg9[%get3A_729, %get3A_730] {strides = array<i32>} : memref<512x32xf32, #tpu.memory_space<vmem>>, vector<1x16xf32>,
      %get3A_732 = vector.shape_cast %get3A_731 : vector<1x16xf32> to vector<16xf32>
      %get3A_733 = arith.index_cast %add3A_719 : i32 to index
      %get3A_734 = arith.constant 16 : index
      %get3A_735 = tpu.vector_load %arg10[%get3A_733, %get3A_734] {strides = array<i32>} : memref<512x32xf32, #tpu.memory_space<vmem>>, vector<1x16xf32>,
      %get3A_736 = vector.shape_cast %get3A_735 : vector<1x16xf32> to vector<16xf32>
      %mul3A_737 = arith.mulf %get3A_732, %get3A_736 : vector<16xf32>
      %add3A_738 = arith.addf %mul3A_728, %mul3A_737 : vector<16xf32>
      %broadcast_in_dim3A_739 = vector.shape_cast %xor3A_185 : vector<16xi32> to vector<16x1xi32>
      %gather3A_740 = vector.shape_cast %broadcast_in_dim3A_739 : vector<16x1xi32> to vector<16xi32>
      %gather3A_741 = tpu.dynamic_gather %add3A_738[%gather3A_740] in [0] : vector<16xf32>, vector<16xi32> -> vector<16xf32>
      %add3A_742 = arith.addf %add3A_738, %gather3A_741 : vector<16xf32>
      %broadcast_in_dim3A_743 = vector.shape_cast %xor3A_188 : vector<16xi32> to vector<16x1xi32>
      %gather3A_744 = vector.shape_cast %broadcast_in_dim3A_743 : vector<16x1xi32> to vector<16xi32>
      %gather3A_745 = tpu.dynamic_gather %add3A_742[%gather3A_744] in [0] : vector<16xf32>, vector<16xi32> -> vector<16xf32>
      %add3A_746 = arith.addf %add3A_742, %gather3A_745 : vector<16xf32>
      %broadcast_in_dim3A_747 = vector.shape_cast %xor3A_191 : vector<16xi32> to vector<16x1xi32>
      %gather3A_748 = vector.shape_cast %broadcast_in_dim3A_747 : vector<16x1xi32> to vector<16xi32>
      %gather3A_749 = tpu.dynamic_gather %add3A_746[%gather3A_748] in [0] : vector<16xf32>, vector<16xi32> -> vector<16xf32>
      %add3A_750 = arith.addf %add3A_746, %gather3A_749 : vector<16xf32>
      %broadcast_in_dim3A_751 = vector.shape_cast %xor3A_194 : vector<16xi32> to vector<16x1xi32>
      %gather3A_752 = vector.shape_cast %broadcast_in_dim3A_751 : vector<16x1xi32> to vector<16xi32>
      %gather3A_753 = tpu.dynamic_gather %add3A_750[%gather3A_752] in [0] : vector<16xf32>, vector<16xi32> -> vector<16xf32>
      %add3A_754 = arith.addf %add3A_750, %gather3A_753 : vector<16xf32>
      %eq3A_755 = arith.constant 12 : i32
      %eq3A_756 = vector.broadcast %eq3A_755 : i32 to vector<16xi32>
      %eq3A_757 = arith.cmpi eq, %iota3A, %eq3A_756 : vector<16xi32>
      %select_n3A_758 = arith.select %eq3A_757, %add3A_754, %select_n3A_715 : vector<16xi1>, vector<16xf32>
      %mul3A_759 = arith.constant 16 : i32
      %mul3A_760 = arith.muli %scan3A_201, %mul3A_759 : i32
      %add3A_761 = arith.constant 13 : i32
      %add3A_762 = arith.addi %mul3A_760, %add3A_761 : i32
      %get3A_763 = arith.index_cast %add3A_762 : i32 to index
      %get3A_764 = arith.constant 0 : index
      %get3A_765 = tpu.vector_load %arg9[%get3A_763, %get3A_764] {strides = array<i32>} : memref<512x32xf32, #tpu.memory_space<vmem>>, vector<1x16xf32>,
      %get3A_766 = vector.shape_cast %get3A_765 : vector<1x16xf32> to vector<16xf32>
      %get3A_767 = arith.index_cast %add3A_762 : i32 to index
      %get3A_768 = arith.constant 0 : index
      %get3A_769 = tpu.vector_load %arg10[%get3A_767, %get3A_768] {strides = array<i32>} : memref<512x32xf32, #tpu.memory_space<vmem>>, vector<1x16xf32>,
      %get3A_770 = vector.shape_cast %get3A_769 : vector<1x16xf32> to vector<16xf32>
      %mul3A_771 = arith.mulf %get3A_766, %get3A_770 : vector<16xf32>
      %get3A_772 = arith.index_cast %add3A_762 : i32 to index
      %get3A_773 = arith.constant 16 : index
      %get3A_774 = tpu.vector_load %arg9[%get3A_772, %get3A_773] {strides = array<i32>} : memref<512x32xf32, #tpu.memory_space<vmem>>, vector<1x16xf32>,
      %get3A_775 = vector.shape_cast %get3A_774 : vector<1x16xf32> to vector<16xf32>
      %get3A_776 = arith.index_cast %add3A_762 : i32 to index
      %get3A_777 = arith.constant 16 : index
      %get3A_778 = tpu.vector_load %arg10[%get3A_776, %get3A_777] {strides = array<i32>} : memref<512x32xf32, #tpu.memory_space<vmem>>, vector<1x16xf32>,
      %get3A_779 = vector.shape_cast %get3A_778 : vector<1x16xf32> to vector<16xf32>
      %mul3A_780 = arith.mulf %get3A_775, %get3A_779 : vector<16xf32>
      %add3A_781 = arith.addf %mul3A_771, %mul3A_780 : vector<16xf32>
      %broadcast_in_dim3A_782 = vector.shape_cast %xor3A_185 : vector<16xi32> to vector<16x1xi32>
      %gather3A_783 = vector.shape_cast %broadcast_in_dim3A_782 : vector<16x1xi32> to vector<16xi32>
      %gather3A_784 = tpu.dynamic_gather %add3A_781[%gather3A_783] in [0] : vector<16xf32>, vector<16xi32> -> vector<16xf32>
      %add3A_785 = arith.addf %add3A_781, %gather3A_784 : vector<16xf32>
      %broadcast_in_dim3A_786 = vector.shape_cast %xor3A_188 : vector<16xi32> to vector<16x1xi32>
      %gather3A_787 = vector.shape_cast %broadcast_in_dim3A_786 : vector<16x1xi32> to vector<16xi32>
      %gather3A_788 = tpu.dynamic_gather %add3A_785[%gather3A_787] in [0] : vector<16xf32>, vector<16xi32> -> vector<16xf32>
      %add3A_789 = arith.addf %add3A_785, %gather3A_788 : vector<16xf32>
      %broadcast_in_dim3A_790 = vector.shape_cast %xor3A_191 : vector<16xi32> to vector<16x1xi32>
      %gather3A_791 = vector.shape_cast %broadcast_in_dim3A_790 : vector<16x1xi32> to vector<16xi32>
      %gather3A_792 = tpu.dynamic_gather %add3A_789[%gather3A_791] in [0] : vector<16xf32>, vector<16xi32> -> vector<16xf32>
      %add3A_793 = arith.addf %add3A_789, %gather3A_792 : vector<16xf32>
      %broadcast_in_dim3A_794 = vector.shape_cast %xor3A_194 : vector<16xi32> to vector<16x1xi32>
      %gather3A_795 = vector.shape_cast %broadcast_in_dim3A_794 : vector<16x1xi32> to vector<16xi32>
      %gather3A_796 = tpu.dynamic_gather %add3A_793[%gather3A_795] in [0] : vector<16xf32>, vector<16xi32> -> vector<16xf32>
      %add3A_797 = arith.addf %add3A_793, %gather3A_796 : vector<16xf32>
      %eq3A_798 = arith.constant 13 : i32
      %eq3A_799 = vector.broadcast %eq3A_798 : i32 to vector<16xi32>
      %eq3A_800 = arith.cmpi eq, %iota3A, %eq3A_799 : vector<16xi32>
      %select_n3A_801 = arith.select %eq3A_800, %add3A_797, %select_n3A_758 : vector<16xi1>, vector<16xf32>
      %mul3A_802 = arith.constant 16 : i32
      %mul3A_803 = arith.muli %scan3A_201, %mul3A_802 : i32
      %add3A_804 = arith.constant 14 : i32
      %add3A_805 = arith.addi %mul3A_803, %add3A_804 : i32
      %get3A_806 = arith.index_cast %add3A_805 : i32 to index
      %get3A_807 = arith.constant 0 : index
      %get3A_808 = tpu.vector_load %arg9[%get3A_806, %get3A_807] {strides = array<i32>} : memref<512x32xf32, #tpu.memory_space<vmem>>, vector<1x16xf32>,
      %get3A_809 = vector.shape_cast %get3A_808 : vector<1x16xf32> to vector<16xf32>
      %get3A_810 = arith.index_cast %add3A_805 : i32 to index
      %get3A_811 = arith.constant 0 : index
      %get3A_812 = tpu.vector_load %arg10[%get3A_810, %get3A_811] {strides = array<i32>} : memref<512x32xf32, #tpu.memory_space<vmem>>, vector<1x16xf32>,
      %get3A_813 = vector.shape_cast %get3A_812 : vector<1x16xf32> to vector<16xf32>
      %mul3A_814 = arith.mulf %get3A_809, %get3A_813 : vector<16xf32>
      %get3A_815 = arith.index_cast %add3A_805 : i32 to index
      %get3A_816 = arith.constant 16 : index
      %get3A_817 = tpu.vector_load %arg9[%get3A_815, %get3A_816] {strides = array<i32>} : memref<512x32xf32, #tpu.memory_space<vmem>>, vector<1x16xf32>,
      %get3A_818 = vector.shape_cast %get3A_817 : vector<1x16xf32> to vector<16xf32>
      %get3A_819 = arith.index_cast %add3A_805 : i32 to index
      %get3A_820 = arith.constant 16 : index
      %get3A_821 = tpu.vector_load %arg10[%get3A_819, %get3A_820] {strides = array<i32>} : memref<512x32xf32, #tpu.memory_space<vmem>>, vector<1x16xf32>,
      %get3A_822 = vector.shape_cast %get3A_821 : vector<1x16xf32> to vector<16xf32>
      %mul3A_823 = arith.mulf %get3A_818, %get3A_822 : vector<16xf32>
      %add3A_824 = arith.addf %mul3A_814, %mul3A_823 : vector<16xf32>
      %broadcast_in_dim3A_825 = vector.shape_cast %xor3A_185 : vector<16xi32> to vector<16x1xi32>
      %gather3A_826 = vector.shape_cast %broadcast_in_dim3A_825 : vector<16x1xi32> to vector<16xi32>
      %gather3A_827 = tpu.dynamic_gather %add3A_824[%gather3A_826] in [0] : vector<16xf32>, vector<16xi32> -> vector<16xf32>
      %add3A_828 = arith.addf %add3A_824, %gather3A_827 : vector<16xf32>
      %broadcast_in_dim3A_829 = vector.shape_cast %xor3A_188 : vector<16xi32> to vector<16x1xi32>
      %gather3A_830 = vector.shape_cast %broadcast_in_dim3A_829 : vector<16x1xi32> to vector<16xi32>
      %gather3A_831 = tpu.dynamic_gather %add3A_828[%gather3A_830] in [0] : vector<16xf32>, vector<16xi32> -> vector<16xf32>
      %add3A_832 = arith.addf %add3A_828, %gather3A_831 : vector<16xf32>
      %broadcast_in_dim3A_833 = vector.shape_cast %xor3A_191 : vector<16xi32> to vector<16x1xi32>
      %gather3A_834 = vector.shape_cast %broadcast_in_dim3A_833 : vector<16x1xi32> to vector<16xi32>
      %gather3A_835 = tpu.dynamic_gather %add3A_832[%gather3A_834] in [0] : vector<16xf32>, vector<16xi32> -> vector<16xf32>
      %add3A_836 = arith.addf %add3A_832, %gather3A_835 : vector<16xf32>
      %broadcast_in_dim3A_837 = vector.shape_cast %xor3A_194 : vector<16xi32> to vector<16x1xi32>
      %gather3A_838 = vector.shape_cast %broadcast_in_dim3A_837 : vector<16x1xi32> to vector<16xi32>
      %gather3A_839 = tpu.dynamic_gather %add3A_836[%gather3A_838] in [0] : vector<16xf32>, vector<16xi32> -> vector<16xf32>
      %add3A_840 = arith.addf %add3A_836, %gather3A_839 : vector<16xf32>
      %eq3A_841 = arith.constant 14 : i32
      %eq3A_842 = vector.broadcast %eq3A_841 : i32 to vector<16xi32>
      %eq3A_843 = arith.cmpi eq, %iota3A, %eq3A_842 : vector<16xi32>
      %select_n3A_844 = arith.select %eq3A_843, %add3A_840, %select_n3A_801 : vector<16xi1>, vector<16xf32>
      %mul3A_845 = arith.constant 16 : i32
      %mul3A_846 = arith.muli %scan3A_201, %mul3A_845 : i32
      %add3A_847 = arith.constant 15 : i32
      %add3A_848 = arith.addi %mul3A_846, %add3A_847 : i32
      %get3A_849 = arith.index_cast %add3A_848 : i32 to index
      %get3A_850 = arith.constant 0 : index
      %get3A_851 = tpu.vector_load %arg9[%get3A_849, %get3A_850] {strides = array<i32>} : memref<512x32xf32, #tpu.memory_space<vmem>>, vector<1x16xf32>,
      %get3A_852 = vector.shape_cast %get3A_851 : vector<1x16xf32> to vector<16xf32>
      %get3A_853 = arith.index_cast %add3A_848 : i32 to index
      %get3A_854 = arith.constant 0 : index
      %get3A_855 = tpu.vector_load %arg10[%get3A_853, %get3A_854] {strides = array<i32>} : memref<512x32xf32, #tpu.memory_space<vmem>>, vector<1x16xf32>,
      %get3A_856 = vector.shape_cast %get3A_855 : vector<1x16xf32> to vector<16xf32>
      %mul3A_857 = arith.mulf %get3A_852, %get3A_856 : vector<16xf32>
      %get3A_858 = arith.index_cast %add3A_848 : i32 to index
      %get3A_859 = arith.constant 16 : index
      %get3A_860 = tpu.vector_load %arg9[%get3A_858, %get3A_859] {strides = array<i32>} : memref<512x32xf32, #tpu.memory_space<vmem>>, vector<1x16xf32>,
      %get3A_861 = vector.shape_cast %get3A_860 : vector<1x16xf32> to vector<16xf32>
      %get3A_862 = arith.index_cast %add3A_848 : i32 to index
      %get3A_863 = arith.constant 16 : index
      %get3A_864 = tpu.vector_load %arg10[%get3A_862, %get3A_863] {strides = array<i32>} : memref<512x32xf32, #tpu.memory_space<vmem>>, vector<1x16xf32>,
      %get3A_865 = vector.shape_cast %get3A_864 : vector<1x16xf32> to vector<16xf32>
      %mul3A_866 = arith.mulf %get3A_861, %get3A_865 : vector<16xf32>
      %add3A_867 = arith.addf %mul3A_857, %mul3A_866 : vector<16xf32>
      %broadcast_in_dim3A_868 = vector.shape_cast %xor3A_185 : vector<16xi32> to vector<16x1xi32>
      %gather3A_869 = vector.shape_cast %broadcast_in_dim3A_868 : vector<16x1xi32> to vector<16xi32>
      %gather3A_870 = tpu.dynamic_gather %add3A_867[%gather3A_869] in [0] : vector<16xf32>, vector<16xi32> -> vector<16xf32>
      %add3A_871 = arith.addf %add3A_867, %gather3A_870 : vector<16xf32>
      %broadcast_in_dim3A_872 = vector.shape_cast %xor3A_188 : vector<16xi32> to vector<16x1xi32>
      %gather3A_873 = vector.shape_cast %broadcast_in_dim3A_872 : vector<16x1xi32> to vector<16xi32>
      %gather3A_874 = tpu.dynamic_gather %add3A_871[%gather3A_873] in [0] : vector<16xf32>, vector<16xi32> -> vector<16xf32>
      %add3A_875 = arith.addf %add3A_871, %gather3A_874 : vector<16xf32>
      %broadcast_in_dim3A_876 = vector.shape_cast %xor3A_191 : vector<16xi32> to vector<16x1xi32>
      %gather3A_877 = vector.shape_cast %broadcast_in_dim3A_876 : vector<16x1xi32> to vector<16xi32>
      %gather3A_878 = tpu.dynamic_gather %add3A_875[%gather3A_877] in [0] : vector<16xf32>, vector<16xi32> -> vector<16xf32>
      %add3A_879 = arith.addf %add3A_875, %gather3A_878 : vector<16xf32>
      %broadcast_in_dim3A_880 = vector.shape_cast %xor3A_194 : vector<16xi32> to vector<16x1xi32>
      %gather3A_881 = vector.shape_cast %broadcast_in_dim3A_880 : vector<16x1xi32> to vector<16xi32>
      %gather3A_882 = tpu.dynamic_gather %add3A_879[%gather3A_881] in [0] : vector<16xf32>, vector<16xi32> -> vector<16xf32>
      %add3A_883 = arith.addf %add3A_879, %gather3A_882 : vector<16xf32>
      %eq3A_884 = arith.constant 15 : i32
      %eq3A_885 = vector.broadcast %eq3A_884 : i32 to vector<16xi32>
      %eq3A_886 = arith.cmpi eq, %iota3A, %eq3A_885 : vector<16xi32>
      %select_n3A_887 = arith.select %eq3A_886, %add3A_883, %select_n3A_844 : vector<16xi1>, vector<16xf32>
      %mul3A_888 = arith.constant 16 : i32
      %mul3A_889 = arith.muli %scan3A_201, %mul3A_888 : i32
      %swap3A = arith.index_cast %mul3A_889 : i32 to index
      %swap3A_890 = tpu.vector_load %arg11[%swap3A] {strides = array<i32>} : memref<512xf32, #tpu.memory_space<vmem>>, vector<16xf32>,
      %swap3A_891 = vector.shape_cast %swap3A_890 : vector<16xf32> to vector<16xf32>
      %swap3A_892 = vector.shape_cast %select_n3A_887 : vector<16xf32> to vector<16xf32>
      tpu.vector_store %arg11[%swap3A], %swap3A_892 {strides = array<i32>} : memref<512xf32, #tpu.memory_space<vmem>>, vector<16xf32>,
      %scan3A_893 = arith.constant 0 : i32
      scf.yield %scan3A_893 : i32
    }
    %scan3A_200 = arith.constant 32 : i32
    "tpu.region"() ({
      %run_scoped3A_201 = tpu.sem_alloc : memref<!tpu.dma_semaphore, #tpu.memory_space<semaphore_mem>>
      %dma_start3A_202 = tpu.memref_slice %arg6[%mul3A_2] : memref<16384xf32, #tpu.memory_space<hbm>> -> memref<512xf32, #tpu.memory_space<hbm>>
      %dma_start3A_203 = tpu.memref_slice %arg6[%mul3A_2] : memref<16384xf32, #tpu.memory_space<hbm>> -> memref<512xf32, #tpu.memory_space<hbm>>
      tpu.enqueue_dma source(%arg11 : memref<512xf32, #tpu.memory_space<vmem>>) target(%dma_start3A_203 : memref<512xf32, #tpu.memory_space<hbm>>) target_semaphore(%run_scoped3A_201 : memref<!tpu.dma_semaphore, #tpu.memory_space<semaphore_mem>>)
      %dma_wait3A_204 = tpu.memref_slice %arg6[%mul3A_2] : memref<16384xf32, #tpu.memory_space<hbm>> -> memref<512xf32, #tpu.memory_space<hbm>>
      %dma_wait3A_205 = tpu.memref_slice %arg6[%mul3A_2] : memref<16384xf32, #tpu.memory_space<hbm>> -> memref<512xf32, #tpu.memory_space<hbm>>
      tpu.wait_dma2 semaphore(%run_scoped3A_201 : memref<!tpu.dma_semaphore, #tpu.memory_space<semaphore_mem>>) src(%arg11 : memref<512xf32, #tpu.memory_space<vmem>>) dst(%dma_wait3A_205 : memref<512xf32, #tpu.memory_space<hbm>>)
      tpu.yield
    }) : () -> ()
    return
  }
}

</mosaic_0001>

<sc_bundles>
// kernel: kernel.3.cloned.1.call-start
scs
__scs_entry_jumppad:
0x0: {  	(pc) =	sbr.rel $0x88, $3  }
0x1: {  	(tag) =	ssettag $0x0;
	lr =	simm.s32 $0x1  }
0x2: {  	[smem:$0x3F9D] =	sst lr;
	_ =	strace $0xD0000000  }
0x3: {  	_ = 	snop  }
0x4: {  	_ = 	snop  }
0x5: {  	_ = 	snop  }
0x6: {  	_ = 	snop  }
0x7: {  	_ = 	snop  }
__scs_overlays_trampoline_lowered:
0x8: {  	[smem:$0x3FAC] =	sst s0  }
0x9: {  	[smem:$0x3FAD] =	sst s1  }
0xa: {  	[smem:$0x3FAE] =	sst s2  }
0xb: {  	[smem:$0x3FAF] =	sst s3  }
0xc: {  	[smem:$0x3FB0] =	sst s4  }
0xd: {  	[smem:$0x3FB1] =	sst s5  }
0xe: {  	[smem:$0x3FB2] =	sst s6  }
0xf: {  	[smem:$0x3FB3] =	sst s7  }
0x10: {  	[smem:$0x3FB4] =	sst s8  }
0x11: {  	[smem:$0x3FB5] =	sst s9;
	s0 =	simm.s32 @!p0 $0x0  }
0x12: {  	s1 =	sld [smem:$0x3F9B];
	s0 =	simm.s32 @p0 $0x1  }
0x13: {  	[smem:$0x3FB6] =	sst s0;
	s0 =	simm.s32 @!p1 $0x0  }
0x14: {  	s2 =	sld [smem:$0x3F9A];
	s0 =	simm.s32 @p1 $0x1  }
0x15: {  	[smem:$0x3FB7] =	sst s0;
	s0 =	simm.s32 @!p2 $0x0  }
0x16: {  	s3 =	sld [smem:$0x3FDB];
	s0 =	simm.s32 @p2 $0x1  }
0x17: {  	s4 =	simm.s32 $0x1BF5;
	[smem:$0x3FB9] =	sst s0  }
0x18: {  	s0 =	sld [smem:$0x3F9C];
	_ =	swait.ge [sflag:s4], $0x0  }
0x19: {  	s7 =	sld [smem:$0x3F9D]  }
0x1a: {  	s8 =	sadd.s32 $0xFFFFE003, lr  }
0x1b: {  	s9 =	sadd.s32 $0xFFFFFEF7, lr;
	s5 =	simm.s32 $0xFFFFFFFF;
	p2 =	slt.u32 s8, $0xFFFFF086  }
0x1c: {  	p1 =	slt.u32 s9, $0xF7A;
	s5 =	simm.s32 @!p2 $0x0  }
0x1d: {  	s5 =	simm.s32 @p1 $0x1;
	p0 =	seq.s32 s7, s2  }
0x1e: {  	s7 =	smul.u32 @!p0 $0xF7A, s2;
	p2 =	seq.s32 @!p0 s5, $0x0  }
0x1f: {  	s9 =	smul.u32 $0xF7A, s1;
	s8 =	simm.s32 @!p0 $0x1BF5;
	p2 =	por !p2, p0  }
0x20: {  	[sflag:s8] =	ssyncset.s32 @!p0 $0xFFFFF086;
	s6 =	sadd.s32 @!p0 s3, s7;
	s7 =	simm.s32 @!p0 $0x108  }
0x21: {  	s3 =	sadd.s32 s3, s9;
	s6 =	sadd.s32 @!p0 $0x88, s6;
	s7 =	simm.s32 @p2 $0x1082  }
0x22: {  	[simem:s7], [sflag:s8] =	dma.local @!p0 [hbm:s6], $0xF7A  }
0x23: {  	s9 =	sor.u32 $0xD0000000, s2;
	s6 =	simm.s32 $0x108;
	_ =	swait.ge @!p0 [sflag:s8], $0x0  }
0x24: {  	s3 =	sadd.s32 $0x88, s3;
	s6 =	simm.s32 @!p1 $0x1082;
	[sflag:s4] =	ssyncset.s32 $0xFFFFF086  }
0x25: {  	[simem:s6], [sflag:s4] =	dma.local [hbm:s3], $0xF7A  }
0x26: {  	[smem:$0x3F9D] =	sst s1;
	(tag) =	ssettag s2;
	_ =	strace s9  }
0x27: {  	s1 =	sld [smem:$0x3FAD]  }
0x28: {  	s2 =	sld [smem:$0x3FAE]  }
0x29: {  	s4 =	sld [smem:$0x3FB0]  }
0x2a: {  	p0 =	seq.s32 s5, $0x0;
	s5 =	sld [smem:$0x3FB1]  }
0x2b: {  	s6 =	sld [smem:$0x3FB2]  }
0x2c: {  	s7 =	sld [smem:$0x3FB3]  }
0x2d: {  	s3 =	simm.s32 $0x108;
	s8 =	sld [smem:$0x3FB4]  }
0x2e: {  	s3 =	simm.s32 @!p0 $0x1082;
	s9 =	sld [smem:$0x3FB5]  }
0x2f: {  	lr =	sadd.s32 s0, s3;
	s0 =	sld [smem:$0x3FAC]  }
0x30: {  	s3 =	sld [smem:$0x3FAF]  }
0x31: {  	[smem:$0x3FB8] =	sst s10  }
0x32: {  	s10 =	sld [smem:$0x3FB6];
	_ =	sdelay $0x3  }
0x33: {  	p0 =	seq.s32 s10, $0x1;
	s10 =	sld [smem:$0x3FB8];
	_ =	sdelay $0x3  }
0x34: {  	[smem:$0x3FB8] =	sst s10  }
0x35: {  	s10 =	sld [smem:$0x3FB7];
	_ =	sdelay $0x3  }
0x36: {  	p1 =	seq.s32 s10, $0x1;
	s10 =	sld [smem:$0x3FB8];
	_ =	sdelay $0x3  }
0x37: {  	[smem:$0x3FB8] =	sst s10  }
0x38: {  	s10 =	sld [smem:$0x3FB9]  }
0x39: {  	_ = 	snop;
	(pc) =	sbr.ind lr, $3  }
0x3a: {  	_ = 	snop  }
0x3b: {  	_ = 	snop  }
0x3c: {  	p2 =	seq.s32 s10, $0x1;
	s10 =	sld [smem:$0x3FB8]  }
0x3d: {  	_ =	shalt  }
0x3e: {  	_ =	shalt  }
0x3f: {  	_ =	shalt  }
0x40: {  	_ =	shalt  }
0x41: {  	_ =	shalt  }
0x42: {  	_ =	shalt  }
0x43: {  	_ =	shalt  }
0x44: {  	_ =	shalt  }
0x45: {  	_ =	shalt  }
0x46: {  	_ =	shalt  }
0x47: {  	_ =	shalt  }
0x48: {  	_ =	shalt  }
0x49: {  	_ =	shalt  }
0x4a: {  	_ =	shalt  }
0x4b: {  	_ =	shalt  }
0x4c: {  	_ =	shalt  }
0x4d: {  	_ =	shalt  }
0x4e: {  	_ =	shalt  }
0x4f: {  	_ =	shalt  }
0x50: {  	_ =	shalt  }
0x51: {  	_ =	shalt  }
0x52: {  	_ =	shalt  }
0x53: {  	_ =	shalt  }
0x54: {  	_ =	shalt  }
0x55: {  	_ =	shalt  }
0x56: {  	_ =	shalt  }
0x57: {  	_ =	shalt  }
0x58: {  	_ =	shalt  }
0x59: {  	_ =	shalt  }
0x5a: {  	_ =	shalt  }
0x5b: {  	_ =	shalt  }
0x5c: {  	_ =	shalt  }
0x5d: {  	_ =	shalt  }
0x5e: {  	_ =	shalt  }
0x5f: {  	_ =	shalt  }
0x60: {  	_ =	shalt  }
0x61: {  	_ =	shalt  }
0x62: {  	_ =	shalt  }
0x63: {  	_ =	shalt  }
0x64: {  	_ =	shalt  }
0x65: {  	_ =	shalt  }
0x66: {  	_ =	shalt  }
0x67: {  	_ =	shalt  }
0x68: {  	_ =	shalt  }
0x69: {  	_ =	shalt  }
0x6a: {  	_ =	shalt  }
0x6b: {  	_ =	shalt  }
0x6c: {  	_ =	shalt  }
0x6d: {  	_ =	shalt  }
0x6e: {  	_ =	shalt  }
0x6f: {  	_ =	shalt  }
0x70: {  	_ =	shalt  }
0x71: {  	_ =	shalt  }
0x72: {  	_ =	shalt  }
0x73: {  	_ =	shalt  }
0x74: {  	_ =	shalt  }
0x75: {  	_ =	shalt  }
0x76: {  	_ =	shalt  }
0x77: {  	_ =	shalt  }
0x78: {  	_ =	shalt  }
0x79: {  	_ =	shalt  }
0x7a: {  	_ =	shalt  }
0x7b: {  	_ =	shalt  }
0x7c: {  	_ =	shalt  }
0x7d: {  	_ =	shalt  }
0x7e: {  	_ =	shalt  }
0x7f: {  	_ =	shalt  }
0x80: {  	_ =	shalt  }
0x81: {  	_ =	shalt  }
0x82: {  	_ =	shalt  }
0x83: {  	_ =	shalt  }
0x84: {  	_ =	shalt  }
0x85: {  	_ =	shalt  }
0x86: {  	_ =	shalt  }
0x87: {  	_ =	shalt  }
.Lfunc_end0:
.L_simem_size_0:
called_computation_lowered:
.L_overlay_start_0:
0x88: {  	s2 =	sld [smem:$0x3FD9]  }
0x89: {  	s3 =	sld [smem:$0x3FFE];
	_ =	sdelay $0x1  }
0x8a: {  	s1 =	srdreg.scid  }
0x8b: {  	s0 =	sand.u32 $0x1, s1  }
0x8c: {  	s17 =	sshll.u32 s0, $0xA;
	s2 =	sadd.s32 s3, s2  }
0x8d: {  	s2 =	sadd.s32 s2, s17  }
0x8e: {  	[smem:$0x3FC4] =	sst s2  }
0x8f: {  	_ = 	snop  }
0x90: {  	s2 =	sld [smem:$0x3FC9]  }
0x91: {  	s18 =	sld [smem:$0x3FC8]  }
0x92: {  	s4 =	sld [smem:$0x3FD0];
	(tm) =	ssettm $0x1  }
0x93: {  	s5 =	sld [smem:$0x3FFB];
	_ =	sdelay $0x3  }
0x94: {  	_ =	strace s5  }
0x95: {  	s5 =	sld [smem:$0x3FFC];
	_ =	sdelay $0x3  }
0x96: {  	_ =	strace s5  }
0x97: {  	s5 =	sld [smem:$0x3FFD];
	_ =	sdelay $0x3  }
0x98: {  	_ =	strace s5  }
0x99: {  	_ =	strace $0x8FFFFFFF  }
0x9a: {  	s19 =	sld [smem:$0x3FDB];
	_ =	sdelay $0x1  }
0x9b: {  	s6 =	simm.s32 $_scs_section_size  }
0x9c: {  	s7 =	simm.s32 $_size__tile_overlayer_lowered;
	s8 =	simm.s32 $_tile_overlayer_lowered  }
0x9d: {  	s22 =	simm.s32 $0x1BFF;
	s21 =	sshll.u32 s8, $0x1;
	s5 =	sadd.s32 s6, s19  }
0x9e: {  	s9 =	simm.s32 $0x0;
	s20 =	sshll.u32 s7, $0x1;
	s7 =	sadd.s32 s21, s5  }
0x9f: {  	[timem:s9], [sflag:s22] =	dma.local [hbm:s7], s20  }
0xa0: {  	_ =	swait.ge [sflag:s22], s20  }
0xa1: {  	s6 =	ssub.s32 $0x0, s20;
	[sflag:s22] =	ssyncset.done $0x0  }
0xa2: {  	[sflag:s22] =	ssyncadd.s32 s6;
	_ =	sdelay $0x1  }
0xa3: {  	s23 =	simm.s32 $0x1B8B  }
0xa4: {  	_ =	swait.ge [sflag:s23], $0x1  }
0xa5: {  	[sflag:s23] =	ssyncset.done $0x0  }
0xa6: {  	s25 =	simm.s32 $0x1B8E;
	s24 =	sld [smem:$0x3FFE];
	[sflag:s23] =	ssyncadd.s32 $0xFFFFFFFF  }
0xa7: {  	s26 =	simm.s32 $execute0_lowered;
	[smem:$0x3FD2] =	sst s25  }
0xa8: {  	s7 =	sshll.u32 s26, $0x1;
	_ =	strace $0x80000046;
	[dreg:$0x1] =	wrdreg $0xFFFFFFFF  }
0xa9: {  	s28 =	simm.s32 $_size_execute0_lowered;
	s5 =	sadd.s32 s5, s7;
	[dreg:$0x0] =	wrdreg $0x0  }
0xaa: {  	s7 =	sshll.u32 s28, $0x1;
	[dreg:$0x2] =	wrdreg s5  }
0xab: {  	[dreg:$0x3] =	wrdreg s7  }
0xac: {  	[dreg:$0x4] =	wrdreg $0xC0  }
0xad: {  	_ =	task [dreg:s9], $0x5FFFF  }
0xae: {  	[dreg:$0x1] =	wrdreg $0xFFFFFFFF  }
0xaf: {  	[dreg:$0x0] =	wrdreg $0x60  }
0xb0: {  	[dreg:$0x2] =	wrdreg s2  }
0xb1: {  	[dreg:$0x3] =	wrdreg s18  }
0xb2: {  	[dreg:$0x4] =	wrdreg s24  }
0xb3: {  	[dreg:$0x5] =	wrdreg s4  }
0xb4: {  	[dreg:$0x6] =	wrdreg $0x9  }
0xb5: {  	_ =	task.clear_ibuf [dreg:s9], $0x7FFFF;
	_ =	strace $0x90000046  }
0xb6: {  	s29 =	simm.s32 $0x9;
	_ =	strace $0x80000048  }
0xb7: {  	_ =	swait.ge [sflag:s29], $0x1  }
0xb8: {  	[sflag:s29] =	ssyncadd.s32 $0xFFFFFFFF  }
0xb9: {  	_ =	strace $0x90000048  }
0xba: {  	_ =	sfence  }
0xbb: {  	s30 =	sld [smem:$0x0];
	_ =	sdelay $0x2  }
0xbc: {  	s31 =	sshll.u32 s1, $0xD;
	s1 =	sshrl.u32 s1, $0x2  }
0xbd: {  	s3 =	sand.u32 $0x4000, s31;
	s1 =	sadd.s32 s1, s30  }
0xbe: {  	s0 =	sor.u32 s3, s0;
	s1 =	sshll.u32 s1, $0x11  }
0xbf: {  	s0 =	sor.u32 s1, s0  }
0xc0: {  	s0 =	sadd.s32 $0x8F2B, s0  }
0xc1: {  	[sflag:s0] =	ssyncadd.remote.s32 $0x1  }
0xc2: {  	_ =	sfence.sel $0xFFFF  }
0xc3: {  	[dreg:$0x0] =	wrdreg $0xFFFFFFFF;
	(pc) =	sbr.abs _section_cstart, $3  }
0xc4: {  	[dreg:$0x1] =	wrdreg $0xFFFFFFFF  }
0xc5: {  	_ =	task.clear_ibuf [dreg:s9], $0x2FFFF;
	_ =	strace $0x9FFFFFFF  }
0xc6: {  	(tm) =	ssettm $0x7FFFFFFF  }
0xc7: {  	_ =	shalt  }
tec
execute0_lowered:
.L_overlay_start_1:
0x0: {  	(tag) =	ssettag $0x1  }
0x1: {  	s0 =	rddreg [dreg:$0x0]  }
0x2: {  	s2 =	rddreg [dreg:$0x1]  }
0x3: {  	s4 =	rddreg [dreg:$0x2];
	v0 =	vimm.s32 $0xEFCDAB89;
	v1 =	vimm.s32 $0x67452301  }
0x4: {  	s13 =	rddreg [dreg:$0x3];
	v2 =	vimm.s32 $0xDCFE98BA;
	v3 =	vimm.s32 $0x54761032;
	v4 =	vimm.s32 $0xBA98FEDC  }
0x5: {  	s1 =	simm.s32 $0x0;
	s5 =	srdreg.scid;
	s7 =	stileid.u32;
	v5 =	vimm.s32 $0x32107654;
	v6 =	vimm.s32 $0xFEDCBA98;
	v7 =	vimm.s32 $0x76543210  }
0x6: {  	s16 =	simm.s32 $0x200;
	s17 =	simm.s32 $0x80;
	s18 =	simm.s32 $0x280;
	vm0 =	vmmov $0x1;
	vm1 =	vmmov $0x3;
	vm2 =	vmmov $0x7  }
0x7: {  	s19 =	simm.s32 $0x100;
	s20 =	simm.s32 $0x300;
	s21 =	simm.s32 $0x180;
	vm3 =	vmmov $0xf;
	vm4 =	vmmov $0x1f;
	vm5 =	vmmov $0x3f  }
0x8: {  	s22 =	simm.s32 $0x380;
	vm6 =	vmmov $0x7f;
	vm7 =	vmmov $0xff;
	vm8 =	vmmov $0x1ff;
	s28 =	simm.s32 $0x2400;
	s29 =	simm.s32 $0x6400  }
0x9: {  	vm9 =	vmmov $0x3ff;
	vm10 =	vmmov $0x7ff;
	vm11 =	vmmov $0xfff;
	s30 =	simm.s32 $0x3400;
	s31 =	simm.s32 $0x7400;
	s23 =	simm.s32 $0x0  }
0xa: {  	vm12 =	vmmov $0x1fff;
	v0 =	vunpack.c.l.s4.s8 v0;
	[smem:$0x7FF] =	sst s1;
	v1 =	vunpack.c.l.s4.s8 v1;
	s3 =	sadd.s32 $0xF42800, s4;
	s5 =	sand.u32 $0x1, s5  }
0xb: {  	v2 =	vunpack.c.l.s4.s8 v2;
	s7 =	sshll.u32 s7, $0x7;
	v3 =	vunpack.c.l.s4.s8 v3;
	v4 =	vunpack.c.l.s4.s8 v4;
	s6 =	ssub.s32 $0x2, s5;
	s5 =	sshll.u32 s5, $0x6  }
0xc: {  	s4 =	sadd.s32 $0x1313200, s4;
	v5 =	vunpack.c.l.s4.s8 v5;
	v6 =	vunpack.c.l.s4.s8 v6;
	v7 =	vunpack.c.l.s4.s8 v7;
	s8 =	sshrl.u32 s6, $0x1;
	s14 =	sor.u32 s5, s7  }
0xd: {  	_ =	strace $0x80000047;
	v0 =	vunpack.c.0.s8.s32 v0;
	v1 =	vunpack.c.0.s8.s32 v1;
	v2 =	vunpack.c.0.s8.s32 v2;
	s15 =	ssub.s32 s6, s8;
	s5 =	sadd.s32 s0, s14  }
0xe: {  	v3 =	vunpack.c.0.s8.s32 v3;
	v4 =	vunpack.c.0.s8.s32 v4;
	v5 =	vunpack.c.0.s8.s32 v5;
	s26 =	sor.u32 $0x10, s14;
	s6 =	sadd.s32 s2, s14;
	s10 =	sor.u32 $0x20, s14  }
0xf: {  	vm13 =	vmmov $0x3fff;
	s12 =	sor.u32 $0x30, s14;
	s13 =	sadd.s32 s13, s14;
	s7 =	sadd.s32 s0, s26;
	v0 =	vcombine.low v1, v0;
	v1 =	vunpack.c.0.s8.s32 v6  }
0x10: {  	s8 =	sadd.s32 s2, s26;
	s9 =	sadd.s32 s0, s10;
	v2 =	vcombine.low v3, v2;
	v3 =	vcombine.low v5, v4;
	s10 =	sadd.s32 s2, s10;
	v4 =	vunpack.c.0.s8.s32 v7  }
0x11: {  	vm14 =	vmmov $0x7fff;
	s11 =	sadd.s32 s0, s12;
	s12 =	sadd.s32 s2, s12;
	s14 =	smax.u32 s15, $0x1;
	v0 =	vand.u32 $0xF, v0;
	v5 =	vand.u32 $0xF, v1  }
0x12: {  	s15 =	simm.s32 $0x2;
	s0 =	simm.s32 $0x1;
	s2 =	simm.s32 $0x8400;
	v1 =	vand.u32 $0xF, v2;
	v2 =	vand.u32 $0xF, v3;
	v3 =	vcombine.low v5, v4  }
.LBB2_1:
0x13: {  	[tilespmem:s1], [sflag:$0x2] =	stream.linear.gather [hbm4b:s5+s1], $0x80, $0x38;
	[tilespmem:$0x8600] =	vst v63  }
0x14: {  	_ =	swait.ge [sflag:s15], $0x80  }
0x15: {  	[sflag:s15] =	ssyncset.done $0x0  }
0x16: {  	[sflag:s15] =	ssyncadd.s32 $0xFFFFFF80  }
0x17: {  	[tilespmem:s16], [sflag:$0x2] =	stream.linear.gather [hbm4b:s6+s1], $0x80, $0x38;
	[tilespmem:$0x8600] =	vst v63  }
0x18: {  	_ =	swait.ge [sflag:s15], $0x80  }
0x19: {  	[sflag:s15] =	ssyncset.done $0x0  }
0x1a: {  	[sflag:s15] =	ssyncadd.s32 $0xFFFFFF80  }
0x1b: {  	[tilespmem:s17], [sflag:$0x2] =	stream.linear.gather [hbm4b:s7+s1], $0x80, $0x38;
	[tilespmem:$0x8600] =	vst v63  }
0x1c: {  	_ =	swait.ge [sflag:s15], $0x80  }
0x1d: {  	[sflag:s15] =	ssyncset.done $0x0  }
0x1e: {  	[sflag:s15] =	ssyncadd.s32 $0xFFFFFF80  }
0x1f: {  	[tilespmem:s18], [sflag:$0x2] =	stream.linear.gather [hbm4b:s8+s1], $0x80, $0x38;
	[tilespmem:$0x8600] =	vst v63  }
0x20: {  	_ =	swait.ge [sflag:s15], $0x80  }
0x21: {  	[sflag:s15] =	ssyncset.done $0x0  }
0x22: {  	[sflag:s15] =	ssyncadd.s32 $0xFFFFFF80  }
0x23: {  	[tilespmem:s19], [sflag:$0x2] =	stream.linear.gather [hbm4b:s9+s1], $0x80, $0x38;
	[tilespmem:$0x8600] =	vst v63  }
0x24: {  	_ =	swait.ge [sflag:s15], $0x80  }
0x25: {  	[sflag:s15] =	ssyncset.done $0x0  }
0x26: {  	[sflag:s15] =	ssyncadd.s32 $0xFFFFFF80  }
0x27: {  	[tilespmem:s20], [sflag:$0x2] =	stream.linear.gather [hbm4b:s10+s1], $0x80, $0x38;
	[tilespmem:$0x8600] =	vst v63  }
0x28: {  	_ =	swait.ge [sflag:s15], $0x80  }
0x29: {  	[sflag:s15] =	ssyncset.done $0x0  }
0x2a: {  	[sflag:s15] =	ssyncadd.s32 $0xFFFFFF80  }
0x2b: {  	[tilespmem:s21], [sflag:$0x2] =	stream.linear.gather [hbm4b:s11+s1], $0x80, $0x38;
	[tilespmem:$0x8600] =	vst v63  }
0x2c: {  	_ =	swait.ge [sflag:s15], $0x80  }
0x2d: {  	[sflag:s15] =	ssyncset.done $0x0  }
0x2e: {  	[sflag:s15] =	ssyncadd.s32 $0xFFFFFF80  }
0x2f: {  	[tilespmem:s22], [sflag:$0x2] =	stream.linear.gather [hbm4b:s12+s1], $0x80, $0x38;
	[tilespmem:$0x8600] =	vst v63  }
0x30: {  	_ =	swait.ge [sflag:s15], $0x80  }
0x31: {  	[sflag:s15] =	ssyncset.done $0x0  }
0x32: {  	s24 =	simm.s32 $0x400;
	[sflag:s15] =	ssyncadd.s32 $0xFFFFFF80  }
0x33: {  	[tilespmem:s24], [sflag:$0x1] =	stream.indirect.gather [hbm4b:s3+s17], $0x20, s1, s17, $0xb8;
	[tilespmem:$0x8600] =	vst v63  }
0x34: {  	s25 =	simm.s32 $0x4400  }
0x35: {  	[tilespmem:s25], [sflag:$0x1] =	stream.indirect.gather [hbm4b:s4+s17], $0x20, s16, s17, $0xb8;
	[tilespmem:$0x8600] =	vst v63  }
0x36: {  	s26 =	simm.s32 $0x1400  }
0x37: {  	[tilespmem:s26], [sflag:$0x1] =	stream.indirect.gather [hbm4b:s3+s17], $0x20, s17, s17, $0xb8;
	[tilespmem:$0x8600] =	vst v63  }
0x38: {  	s25 =	simm.s32 $0x5400  }
0x39: {  	[tilespmem:s25], [sflag:$0x1] =	stream.indirect.gather [hbm4b:s4+s17], $0x20, s18, s17, $0xb8;
	[tilespmem:$0x8600] =	vst v63  }
0x3a: {  	_ = 	snop  }
0x3b: {  	[tilespmem:s28], [sflag:$0x1] =	stream.indirect.gather [hbm4b:s3+s17], $0x20, s19, s17, $0xb8;
	[tilespmem:$0x8600] =	vst v63  }
0x3c: {  	_ = 	snop  }
0x3d: {  	[tilespmem:s29], [sflag:$0x1] =	stream.indirect.gather [hbm4b:s4+s17], $0x20, s20, s17, $0xb8;
	[tilespmem:$0x8600] =	vst v63  }
0x3e: {  	_ = 	snop  }
0x3f: {  	[tilespmem:s30], [sflag:$0x1] =	stream.indirect.gather [hbm4b:s3+s17], $0x20, s21, s17, $0xb8;
	[tilespmem:$0x8600] =	vst v63  }
0x40: {  	_ = 	snop  }
0x41: {  	[tilespmem:s31], [sflag:$0x1] =	stream.indirect.gather [hbm4b:s4+s17], $0x20, s22, s17, $0xb8;
	[tilespmem:$0x8600] =	vst v63  }
0x42: {  	_ =	swait.ge [sflag:s0], $0x1000  }
0x43: {  	[sflag:s0] =	ssyncset.done $0x0  }
0x44: {  	[sflag:s0] =	ssyncadd.s32 $0xFFFFF000  }
0x45: {  	_ =	swait.ge [sflag:s0], $0x1000  }
0x46: {  	[sflag:s0] =	ssyncset.done $0x0  }
0x47: {  	[sflag:s0] =	ssyncadd.s32 $0xFFFFF000  }
0x48: {  	_ =	swait.ge [sflag:s0], $0x1000  }
0x49: {  	[sflag:s0] =	ssyncset.done $0x0  }
0x4a: {  	[sflag:s0] =	ssyncadd.s32 $0xFFFFF000  }
0x4b: {  	_ =	swait.ge [sflag:s0], $0x1000  }
0x4c: {  	[sflag:s0] =	ssyncset.done $0x0  }
0x4d: {  	[sflag:s0] =	ssyncadd.s32 $0xFFFFF000  }
0x4e: {  	_ =	swait.ge [sflag:s0], $0x1000  }
0x4f: {  	[sflag:s0] =	ssyncset.done $0x0  }
0x50: {  	[sflag:s0] =	ssyncadd.s32 $0xFFFFF000  }
0x51: {  	_ =	swait.ge [sflag:s0], $0x1000  }
0x52: {  	[sflag:s0] =	ssyncset.done $0x0  }
0x53: {  	[sflag:s0] =	ssyncadd.s32 $0xFFFFF000  }
0x54: {  	_ =	swait.ge [sflag:s0], $0x1000  }
0x55: {  	[sflag:s0] =	ssyncset.done $0x0  }
0x56: {  	[sflag:s0] =	ssyncadd.s32 $0xFFFFF000  }
0x57: {  	_ =	swait.ge [sflag:s0], $0x1000  }
0x58: {  	[sflag:s0] =	ssyncset.done $0x0  }
0x59: {  	s26 =	simm.s32 $0x0;
	[sflag:s0] =	ssyncadd.s32 $0xFFFFF000  }
0x5a: {  	v4 =	vld [tilespmem:s26+$0x5E0]  }
0x5b: {  	v5 =	vld [tilespmem:s26+$0x45E0]  }
0x5c: {  	v6 =	vld [tilespmem:s26+$0x5F0]  }
0x5d: {  	v7 =	vld [tilespmem:s26+$0x45F0]  }
0x5e: {  	v8 =	vld [tilespmem:s26+$0x5C0]  }
0x5f: {  	v9 =	vld [tilespmem:s26+$0x45C0]  }
0x60: {  	v10 =	vld [tilespmem:s26+$0x5D0]  }
0x61: {  	v11 =	vld [tilespmem:s26+$0x45D0]  }
0x62: {  	v12 =	vld [tilespmem:s26+$0x5A0]  }
0x63: {  	v13 =	vld [tilespmem:s26+$0x45A0]  }
0x64: {  	v14 =	vld [tilespmem:s26+$0x5B0]  }
0x65: {  	v15 =	vld [tilespmem:s26+$0x45B0]  }
0x66: {  	v16 =	vld [tilespmem:s26+$0x580]  }
0x67: {  	v17 =	vld [tilespmem:s26+$0x4580]  }
0x68: {  	v18 =	vld [tilespmem:s26+$0x590]  }
0x69: {  	v19 =	vld [tilespmem:s26+$0x4590]  }
0x6a: {  	v20 =	vld [tilespmem:s26+$0x560]  }
0x6b: {  	v21 =	vld [tilespmem:s26+$0x4560]  }
0x6c: {  	v22 =	vld [tilespmem:s26+$0x570]  }
0x6d: {  	v23 =	vld [tilespmem:s26+$0x4570]  }
0x6e: {  	v24 =	vld [tilespmem:s26+$0x540]  }
0x6f: {  	v25 =	vld [tilespmem:s26+$0x4540]  }
0x70: {  	v26 =	vld [tilespmem:s26+$0x550]  }
0x71: {  	v27 =	vld [tilespmem:s26+$0x4550]  }
0x72: {  	v28 =	vld [tilespmem:s26+$0x520]  }
0x73: {  	v29 =	vld [tilespmem:s26+$0x4520]  }
0x74: {  	v30 =	vld [tilespmem:s26+$0x530]  }
0x75: {  	v31 =	vld [tilespmem:s26+$0x4530]  }
0x76: {  	v32 =	vld [tilespmem:s26+$0x500]  }
0x77: {  	v33 =	vld [tilespmem:s26+$0x4500]  }
0x78: {  	v34 =	vld [tilespmem:s26+$0x4A0]  }
0x79: {  	v37 =	vld [tilespmem:s26+$0x44A0]  }
0x7a: {  	v61 =	vld [tilespmem:s26+$0x4450]  }
0x7b: {  	v43 =	vld [tilespmem:s26+$0x4470]  }
0x7c: {  	v4 =	vmul.f32 v5, v4;
	v5 =	vmul.f32 v7, v6;
	v7 =	vld [tilespmem:s26+$0x510]  }
0x7d: {  	v6 =	vmul.f32 v9, v8;
	v8 =	vmul.f32 v11, v10;
	v9 =	vld [tilespmem:s26+$0x4510]  }
0x7e: {  	v10 =	vmul.f32 v13, v12;
	v11 =	vmul.f32 v15, v14;
	v12 =	vld [tilespmem:s26+$0x4E0]  }
0x7f: {  	v13 =	vmul.f32 v17, v16;
	v14 =	vmul.f32 v19, v18;
	v15 =	vld [tilespmem:s26+$0x44E0]  }
0x80: {  	v16 =	vld [tilespmem:s26+$0x4C0];
	v20 =	vmul.f32 v21, v20;
	v21 =	vmul.f32 v23, v22  }
0x81: {  	v19 =	vld [tilespmem:s26+$0x44C0];
	v23 =	vmul.f32 v25, v24;
	v24 =	vmul.f32 v27, v26;
	v6 =	vadd.f32 v8, v6  }
0x82: {  	v26 =	vmul.f32 v29, v28;
	v27 =	vmul.f32 v31, v30;
	v4 =	vadd.f32 v5, v4;
	v8 =	vld [tilespmem:s26+$0x4F0]  }
0x83: {  	v5 =	vadd.f32 v14, v13;
	v10 =	vadd.f32 v11, v10;
	v11 =	vld [tilespmem:s26+$0x44F0];
	v13 =	vperm.xlane v6, v0  }
0x84: {  	v14 =	vperm.xlane v4, v0;
	v7 =	vmul.f32 v9, v7;
	v9 =	vadd.f32 v21, v20;
	v20 =	vld [tilespmem:s26+$0x470]  }
0x85: {  	v17 =	vperm.xlane v5, v0;
	v12 =	vmul.f32 v15, v12;
	v15 =	vld [tilespmem:s26+$0x440]  }
0x86: {  	v18 =	vperm.xlane v10, v0;
	v16 =	vmul.f32 v19, v16;
	v19 =	vld [tilespmem:s26+$0x4440]  }
0x87: {  	v28 =	vmul.f32 v33, v32;
	v21 =	vld [tilespmem:s26+$0x450];
	v6 =	vadd.f32 v6, v13;
	v4 =	vadd.f32 v4, v14  }
0x88: {  	v34 =	vmul.f32 v37, v34;
	v13 =	vld [tilespmem:s26+$0x4D0];
	v5 =	vadd.f32 v5, v17;
	v10 =	vadd.f32 v10, v18  }
0x89: {  	v14 =	vld [tilespmem:s26+$0x44D0];
	v8 =	vmul.f32 v11, v8;
	v11 =	vadd.f32 v24, v23;
	v17 =	vperm.xlane v6, v1  }
0x8a: {  	v7 =	vadd.f32 v7, v28;
	v18 =	vperm.xlane v4, v1;
	v35 =	vperm.xlane v5, v1  }
0x8b: {  	v57 =	vld [tilespmem:s26+$0x44B0];
	v36 =	vperm.xlane v10, v1;
	v8 =	vadd.f32 v8, v12;
	v12 =	vperm.xlane v9, v0  }
0x8c: {  	v38 =	vld [tilespmem:s26+$0x480];
	v23 =	vperm.xlane v11, v0;
	v6 =	vadd.f32 v6, v17;
	v4 =	vadd.f32 v4, v18  }
0x8d: {  	v41 =	vld [tilespmem:s26+$0x4480];
	v18 =	vadd.f32 v5, v35;
	v15 =	vmul.f32 v19, v15;
	v19 =	vmul.f32 v61, v21  }
0x8e: {  	v25 =	vld [tilespmem:s26+$0x460];
	v10 =	vadd.f32 v10, v36;
	v20 =	vmul.f32 v43, v20;
	v13 =	vmul.f32 v14, v13  }
0x8f: {  	v29 =	vld [tilespmem:s26+$0x420];
	v14 =	vadd.f32 v27, v26;
	v26 =	vperm.xlane v8, v0;
	v27 =	vperm.xlane v7, v0  }
0x90: {  	v24 =	vld [tilespmem:s26+$0x4400];
	v9 =	vadd.f32 v9, v12;
	v5 =	vperm.xlane v6, v2;
	v58 =	vperm.xlane v4, v2  }
0x91: {  	v17 =	vld [tilespmem:s26+$0x4B0];
	v11 =	vadd.f32 v11, v23;
	v39 =	vperm.xlane v18, v2;
	v40 =	vperm.xlane v10, v2  }
0x92: {  	v12 =	vld [tilespmem:s26+$0x400];
	v15 =	vadd.f32 v19, v15;
	v13 =	vadd.f32 v13, v16;
	v16 =	vperm.xlane v14, v0  }
0x93: {  	v19 =	vmul.f32 v41, v38;
	v8 =	vadd.f32 v8, v26;
	v26 =	vld [tilespmem:s26+$0x4410];
	v5 =	vadd.f32 v6, v5  }
0x94: {  	v23 =	vperm.xlane v9, v1;
	v6 =	vadd.f32 v10, v40;
	v10 =	vld [tilespmem:s26+$0x4460];
	v14 =	vadd.f32 v14, v16  }
0x95: {  	v7 =	vadd.f32 v7, v27;
	v28 =	vperm.xlane v13, v0;
	v16 =	vld [tilespmem:s26+$0x410];
	v30 =	vperm.xlane v8, v1  }
0x96: {  	v4 =	vadd.f32 v4, v58;
	v9 =	vadd.f32 v9, v23;
	v23 =	vld [tilespmem:s26+$0x4420];
	v27 =	vperm.xlane v14, v1  }
0x97: {  	v31 =	vperm.xlane v7, v1;
	v13 =	vadd.f32 v13, v28;
	v8 =	vadd.f32 v8, v30;
	v30 =	vld [tilespmem:s26+$0x4430]  }
0x98: {  	v17 =	vmul.f32 v57, v17;
	v28 =	vperm.xlane v11, v1;
	v14 =	vadd.f32 v14, v27;
	v27 =	vld [tilespmem:s26+$0x430]  }
0x99: {  	v12 =	vmul.f32 v24, v12;
	v7 =	vadd.f32 v7, v31;
	v59 =	vperm.xlane v13, v1  }
0x9a: {  	v22 =	vld [tilespmem:s26+$0x490];
	v11 =	vadd.f32 v11, v28;
	v28 =	vperm.xlane v9, v2;
	v62 =	vperm.xlane v8, v2  }
0x9b: {  	v18 =	vadd.f32 v18, v39;
	v63 =	vperm.xlane v7, v2;
	v10 =	vmul.f32 v10, v25;
	v25 =	vld [tilespmem:s26+$0x4490]  }
0x9c: {  	v17 =	vadd.f32 v17, v34;
	v16 =	vmul.f32 v26, v16;
	v23 =	vmul.f32 v23, v29  }
0x9d: {  	v13 =	vadd.f32 v13, v59;
	v9 =	vadd.f32 v9, v28;
	v24 =	vmul.f32 v30, v27  }
0x9e: {  	v31 =	vperm.xlane v14, v2;
	v7 =	vadd.f32 v7, v63;
	v8 =	vadd.f32 v8, v62  }
0x9f: {  	v60 =	vperm.xlane v11, v2;
	v12 =	vadd.f32 v16, v12;
	v16 =	vadd.f32 v24, v23  }
0xa0: {  	v10 =	vadd.f32 v20, v10;
	v20 =	vperm.xlane v15, v0;
	v21 =	vmul.f32 v25, v22  }
0xa1: {  	v11 =	vadd.f32 v11, v60;
	v22 =	vperm.xlane v12, v0;
	v23 =	vperm.xlane v16, v0  }
0xa2: {  	v44 =	vperm.xlane v13, v2;
	v14 =	vadd.f32 v14, v31;
	v19 =	vadd.f32 v21, v19  }
0xa3: {  	v12 =	vadd.f32 v12, v22;
	v21 =	vperm.xlane v10, v0;
	v16 =	vadd.f32 v16, v23  }
0xa4: {  	v15 =	vadd.f32 v15, v20;
	v22 =	vperm.xlane v17, v0;
	v20 =	vperm.xlane v19, v0  }
0xa5: {  	v10 =	vadd.f32 v10, v21;
	v23 =	vperm.xlane v12, v1;
	v24 =	vperm.xlane v16, v1  }
0xa6: {  	v21 =	vperm.xlane v15, v1;
	v17 =	vadd.f32 v17, v22;
	v19 =	vadd.f32 v19, v20  }
0xa7: {  	v20 =	vperm.xlane v10, v1;
	v12 =	vadd.f32 v12, v23;
	v16 =	vadd.f32 v16, v24  }
0xa8: {  	v15 =	vadd.f32 v15, v21;
	v22 =	vperm.xlane v17, v1;
	v21 =	vperm.xlane v19, v1  }
0xa9: {  	v10 =	vadd.f32 v10, v20;
	v23 =	vperm.xlane v12, v2;
	v24 =	vperm.xlane v16, v2  }
0xaa: {  	v20 =	vperm.xlane v15, v2;
	v17 =	vadd.f32 v17, v22;
	v19 =	vadd.f32 v19, v21  }
0xab: {  	v21 =	vperm.xlane v10, v2;
	v12 =	vadd.f32 v12, v23;
	v16 =	vadd.f32 v16, v24  }
0xac: {  	v15 =	vadd.f32 v15, v20;
	v22 =	vperm.xlane v17, v2;
	v20 =	vperm.xlane v19, v2  }
0xad: {  	v10 =	vadd.f32 v10, v21;
	v23 =	vperm.xlane v12, v3;
	v24 =	vperm.xlane v16, v3  }
0xae: {  	v21 =	vperm.xlane v15, v3;
	v17 =	vadd.f32 v17, v22;
	v19 =	vadd.f32 v19, v20  }
0xaf: {  	v20 =	vperm.xlane v10, v3;
	v12 =	vadd.f32 v12, v23;
	v16 =	vadd.f32 v16, v24  }
0xb0: {  	v13 =	vadd.f32 v13, v44;
	v15 =	vadd.f32 v15, v21;
	v21 =	vperm.xlane v19, v3  }
0xb1: {  	v10 =	vadd.f32 v10, v20;
	v12 =	vsel vm0, v12, v16;
	v16 =	vperm.xlane v17, v3  }
0xb2: {  	v12 =	vsel vm1, v12, v15;
	v15 =	vadd.f32 v19, v21;
	v19 =	vperm.xlane v13, v3  }
0xb3: {  	v10 =	vsel vm2, v12, v10;
	v12 =	vadd.f32 v17, v16;
	v16 =	vperm.xlane v8, v3  }
0xb4: {  	v10 =	vsel vm3, v10, v15;
	v13 =	vadd.f32 v13, v19;
	v15 =	vperm.xlane v7, v3  }
0xb5: {  	v10 =	vsel vm4, v10, v12;
	v8 =	vadd.f32 v8, v16;
	v12 =	vperm.xlane v14, v3  }
0xb6: {  	v10 =	vsel vm5, v10, v13;
	v7 =	vadd.f32 v7, v15;
	v13 =	vperm.xlane v11, v3  }
0xb7: {  	v8 =	vsel vm6, v10, v8;
	v10 =	vadd.f32 v14, v12;
	v12 =	vperm.xlane v9, v3  }
0xb8: {  	v7 =	vsel vm7, v8, v7;
	v8 =	vadd.f32 v11, v13;
	v11 =	vperm.xlane v18, v3  }
0xb9: {  	v7 =	vsel vm8, v7, v10;
	v9 =	vadd.f32 v9, v12;
	v10 =	vperm.xlane v6, v3  }
0xba: {  	v7 =	vsel vm9, v7, v8;
	v8 =	vadd.f32 v18, v11;
	v11 =	vperm.xlane v5, v3  }
0xbb: {  	v7 =	vsel vm10, v7, v9;
	v6 =	vadd.f32 v6, v10;
	v9 =	vperm.xlane v4, v3  }
0xbc: {  	v7 =	vsel vm11, v7, v8;
	v5 =	vadd.f32 v5, v11  }
0xbd: {  	v6 =	vsel vm12, v7, v6;
	v4 =	vadd.f32 v4, v9  }
0xbe: {  	v5 =	vsel vm13, v6, v5  }
0xbf: {  	v4 =	vsel vm14, v5, v4  }
0xc0: {  	s25 =	simm.s32 $0x200;
	[tilespmem:s2+$0x0] =	vst v4  }
0xc1: {  	v4 =	vld [tilespmem:s25+$0x5E0]  }
0xc2: {  	v5 =	vld [tilespmem:s25+$0x45E0]  }
0xc3: {  	v6 =	vld [tilespmem:s25+$0x5F0]  }
0xc4: {  	v7 =	vld [tilespmem:s25+$0x45F0]  }
0xc5: {  	v8 =	vld [tilespmem:s25+$0x5C0]  }
0xc6: {  	v9 =	vld [tilespmem:s25+$0x45C0]  }
0xc7: {  	v10 =	vld [tilespmem:s25+$0x5D0]  }
0xc8: {  	v11 =	vld [tilespmem:s25+$0x45D0]  }
0xc9: {  	v12 =	vld [tilespmem:s25+$0x5A0]  }
0xca: {  	v13 =	vld [tilespmem:s25+$0x45A0]  }
0xcb: {  	v14 =	vld [tilespmem:s25+$0x5B0]  }
0xcc: {  	v15 =	vld [tilespmem:s25+$0x45B0]  }
0xcd: {  	v16 =	vld [tilespmem:s25+$0x580]  }
0xce: {  	v17 =	vld [tilespmem:s25+$0x4580]  }
0xcf: {  	v18 =	vld [tilespmem:s25+$0x590]  }
0xd0: {  	v19 =	vld [tilespmem:s25+$0x4590]  }
0xd1: {  	v20 =	vld [tilespmem:s25+$0x560]  }
0xd2: {  	v21 =	vld [tilespmem:s25+$0x4560]  }
0xd3: {  	v22 =	vld [tilespmem:s25+$0x570]  }
0xd4: {  	v23 =	vld [tilespmem:s25+$0x4570]  }
0xd5: {  	v24 =	vld [tilespmem:s25+$0x540]  }
0xd6: {  	v25 =	vld [tilespmem:s25+$0x4540]  }
0xd7: {  	v26 =	vld [tilespmem:s25+$0x550]  }
0xd8: {  	v27 =	vld [tilespmem:s25+$0x4550]  }
0xd9: {  	v28 =	vld [tilespmem:s25+$0x520]  }
0xda: {  	v29 =	vld [tilespmem:s25+$0x4520]  }
0xdb: {  	v30 =	vld [tilespmem:s25+$0x530]  }
0xdc: {  	v31 =	vld [tilespmem:s25+$0x4530]  }
0xdd: {  	v45 =	vld [tilespmem:s25+$0x500]  }
0xde: {  	v46 =	vld [tilespmem:s25+$0x4500]  }
0xdf: {  	v47 =	vld [tilespmem:s25+$0x510]  }
0xe0: {  	v48 =	vld [tilespmem:s25+$0x4510];
	v4 =	vmul.f32 v5, v4  }
0xe1: {  	v49 =	vld [tilespmem:s25+$0x4E0];
	v5 =	vmul.f32 v7, v6;
	v6 =	vmul.f32 v9, v8  }
0xe2: {  	v50 =	vld [tilespmem:s25+$0x4F0];
	v7 =	vmul.f32 v11, v10;
	v8 =	vmul.f32 v13, v12  }
0xe3: {  	v51 =	vld [tilespmem:s25+$0x44F0];
	v9 =	vmul.f32 v15, v14;
	v10 =	vmul.f32 v17, v16  }
0xe4: {  	v52 =	vld [tilespmem:s25+$0x4C0];
	v11 =	vmul.f32 v19, v18;
	v20 =	vmul.f32 v21, v20  }
0xe5: {  	v53 =	vld [tilespmem:s25+$0x44C0];
	v21 =	vmul.f32 v23, v22;
	v22 =	vmul.f32 v25, v24  }
0xe6: {  	v54 =	vld [tilespmem:s25+$0x4D0];
	v23 =	vmul.f32 v27, v26;
	v24 =	vmul.f32 v29, v28  }
0xe7: {  	v18 =	vld [tilespmem:s25+$0x44E0];
	v25 =	vmul.f32 v31, v30;
	v26 =	vmul.f32 v46, v45;
	v6 =	vadd.f32 v7, v6  }
0xe8: {  	v42 =	vld [tilespmem:s25+$0x44D0];
	v27 =	vmul.f32 v48, v47;
	v4 =	vadd.f32 v5, v4;
	v5 =	vadd.f32 v11, v10  }
0xe9: {  	v12 =	vld [tilespmem:s25+$0x44A0];
	v29 =	vmul.f32 v51, v50;
	v7 =	vadd.f32 v9, v8;
	v28 =	vadd.f32 v21, v20  }
0xea: {  	v17 =	vld [tilespmem:s25+$0x460];
	v30 =	vadd.f32 v23, v22;
	v22 =	vmul.f32 v53, v52;
	v8 =	vperm.xlane v6, v0  }
0xeb: {  	v24 =	vadd.f32 v25, v24;
	v20 =	vld [tilespmem:s25+$0x4440];
	v9 =	vperm.xlane v4, v0;
	v10 =	vperm.xlane v5, v0  }
0xec: {  	v26 =	vadd.f32 v27, v26;
	v11 =	vperm.xlane v7, v0;
	v21 =	vmul.f32 v18, v49;
	v18 =	vld [tilespmem:s25+$0x440]  }
0xed: {  	v27 =	vperm.xlane v28, v0;
	v31 =	vperm.xlane v24, v0;
	v5 =	vadd.f32 v5, v10;
	v10 =	vld [tilespmem:s25+$0x4A0]  }
0xee: {  	v57 =	vperm.xlane v26, v0;
	v6 =	vadd.f32 v6, v8;
	v7 =	vadd.f32 v7, v11;
	v11 =	vld [tilespmem:s25+$0x4B0]  }
0xef: {  	v55 =	vperm.xlane v30, v0;
	v4 =	vadd.f32 v4, v9;
	v31 =	vadd.f32 v24, v31;
	v24 =	vld [tilespmem:s25+$0x410]  }
0xf0: {  	v23 =	vmul.f32 v42, v54;
	v27 =	vadd.f32 v28, v27;
	v59 =	vadd.f32 v26, v57;
	v26 =	vld [tilespmem:s25+$0x420]  }
0xf1: {  	v30 =	vadd.f32 v30, v55;
	v25 =	vadd.f32 v29, v21;
	v21 =	vld [tilespmem:s25+$0x450]  }
0xf2: {  	v29 =	vadd.f32 v23, v22;
	v22 =	vld [tilespmem:s25+$0x4400];
	v8 =	vperm.xlane v6, v1;
	v13 =	vperm.xlane v5, v1  }
0xf3: {  	v23 =	vld [tilespmem:s25+$0x400];
	v9 =	vperm.xlane v4, v1;
	v15 =	vperm.xlane v7, v1  }
0xf4: {  	v60 =	vperm.xlane v27, v1;
	v61 =	vperm.xlane v30, v1;
	v14 =	vadd.f32 v5, v13;
	v13 =	vld [tilespmem:s25+$0x44B0]  }
0xf5: {  	v63 =	vperm.xlane v59, v1;
	v28 =	vperm.xlane v29, v0;
	v15 =	vadd.f32 v7, v15;
	v7 =	vld [tilespmem:s25+$0x480]  }
0xf6: {  	v56 =	vperm.xlane v25, v0;
	v6 =	vadd.f32 v6, v8;
	v4 =	vadd.f32 v4, v9;
	v8 =	vld [tilespmem:s25+$0x4480]  }
0xf7: {  	v32 =	vadd.f32 v30, v61;
	v30 =	vld [tilespmem:s25+$0x430];
	v34 =	vadd.f32 v29, v28;
	v29 =	vperm.xlane v31, v1  }
0xf8: {  	v58 =	vadd.f32 v25, v56;
	v25 =	vld [tilespmem:s25+$0x4410];
	v5 =	vperm.xlane v6, v2;
	v9 =	vperm.xlane v4, v2  }
0xf9: {  	v33 =	vadd.f32 v27, v60;
	v28 =	vld [tilespmem:s25+$0x4420];
	v16 =	vperm.xlane v14, v2;
	v19 =	vperm.xlane v15, v2  }
0xfa: {  	v62 =	vperm.xlane v58, v1;
	v29 =	vadd.f32 v31, v29;
	v4 =	vadd.f32 v4, v9;
	v9 =	vld [tilespmem:s25+$0x490]  }
0xfb: {  	v36 =	vperm.xlane v34, v1;
	v5 =	vadd.f32 v6, v5;
	v6 =	vadd.f32 v15, v19;
	v19 =	vld [tilespmem:s25+$0x4460]  }
0xfc: {  	s24 =	simm.s32 $0x8400;
	s26 =	simm.s32 $0x1000;
	v35 =	vperm.xlane v33, v2;
	v31 =	vadd.f32 v59, v63;
	v15 =	vld [tilespmem:s25+$0x470];
	v27 =	vadd.f32 v58, v62  }
.LBB2_2:
0xfd: {  	p0 =	sne.s32 s26, $0xF800;
	v37 =	vld [tilespmem:s25+$0x4430];
	v34 =	vadd.f32 v34, v36;
	v36 =	vperm.xlane v29, v2;
	v38 =	vperm.xlane v32, v2  }
0xfe: {  	v14 =	vadd.f32 v14, v16;
	v39 =	vld [tilespmem:s25+$0x4450];
	v40 =	vperm.xlane v27, v2;
	v41 =	vperm.xlane v31, v2  }
0xff: {  	v10 =	vmul.f32 v12, v10;
	v33 =	vadd.f32 v33, v35;
	v16 =	vld [tilespmem:s25+$0x4470];
	v12 =	vperm.xlane v34, v2  }
0x100: {  	v17 =	vmul.f32 v19, v17;
	v11 =	vmul.f32 v13, v11;
	v13 =	vadd.f32 v32, v38;
	v19 =	vld [tilespmem:s25+$0x4490]  }
0x101: {  	v22 =	vmul.f32 v22, v23;
	v23 =	vmul.f32 v25, v24;
	v24 =	vadd.f32 v29, v36  }
0x102: {  	v25 =	vmul.f32 v28, v26;
	v28 =	vadd.f32 v31, v41;
	v26 =	vmul.f32 v37, v30  }
0x103: {  	v18 =	vmul.f32 v20, v18;
	v20 =	vmul.f32 v39, v21;
	v21 =	vadd.f32 v27, v40  }
0x104: {  	v22 =	vadd.f32 v23, v22;
	v23 =	vadd.f32 v26, v25;
	v15 =	vmul.f32 v16, v15  }
0x105: {  	v7 =	vmul.f32 v8, v7;
	v16 =	vadd.f32 v20, v18;
	v8 =	vmul.f32 v19, v9  }
0x106: {  	v9 =	vperm.xlane v22, v0;
	v18 =	vperm.xlane v23, v0;
	v15 =	vadd.f32 v15, v17  }
0x107: {  	v17 =	vperm.xlane v16, v0;
	v7 =	vadd.f32 v8, v7;
	v8 =	vadd.f32 v11, v10  }
0x108: {  	v9 =	vadd.f32 v22, v9;
	v10 =	vadd.f32 v23, v18;
	v11 =	vperm.xlane v15, v0  }
0x109: {  	v16 =	vadd.f32 v16, v17;
	v17 =	vperm.xlane v7, v0;
	v18 =	vperm.xlane v8, v0  }
0x10a: {  	v19 =	vperm.xlane v9, v1;
	v20 =	vperm.xlane v10, v1;
	v11 =	vadd.f32 v15, v11  }
0x10b: {  	v15 =	vperm.xlane v16, v1;
	v7 =	vadd.f32 v7, v17;
	v8 =	vadd.f32 v8, v18  }
0x10c: {  	v9 =	vadd.f32 v9, v19;
	v10 =	vadd.f32 v10, v20;
	v17 =	vperm.xlane v11, v1  }
0x10d: {  	v15 =	vadd.f32 v16, v15;
	v16 =	vperm.xlane v7, v1;
	v18 =	vperm.xlane v8, v1  }
0x10e: {  	v19 =	vperm.xlane v9, v2;
	v20 =	vperm.xlane v10, v2;
	v11 =	vadd.f32 v11, v17  }
0x10f: {  	v17 =	vperm.xlane v15, v2;
	v7 =	vadd.f32 v7, v16;
	v8 =	vadd.f32 v8, v18  }
0x110: {  	v9 =	vadd.f32 v9, v19;
	v10 =	vadd.f32 v10, v20;
	v16 =	vperm.xlane v11, v2  }
0x111: {  	v15 =	vadd.f32 v15, v17;
	v17 =	vperm.xlane v7, v2;
	v18 =	vperm.xlane v8, v2  }
0x112: {  	v19 =	vperm.xlane v9, v3;
	v20 =	vperm.xlane v10, v3;
	v11 =	vadd.f32 v11, v16  }
0x113: {  	v16 =	vperm.xlane v15, v3;
	v7 =	vadd.f32 v7, v17;
	v8 =	vadd.f32 v8, v18  }
0x114: {  	v9 =	vadd.f32 v9, v19;
	v10 =	vadd.f32 v10, v20;
	v17 =	vperm.xlane v11, v3  }
0x115: {  	v12 =	vadd.f32 v34, v12;
	v15 =	vadd.f32 v15, v16;
	v16 =	vperm.xlane v7, v3  }
0x116: {  	v9 =	vsel vm0, v9, v10;
	v10 =	vadd.f32 v11, v17;
	v11 =	vperm.xlane v8, v3  }
0x117: {  	v9 =	vsel vm1, v9, v15;
	v7 =	vadd.f32 v7, v16;
	v15 =	vperm.xlane v12, v3  }
0x118: {  	v9 =	vsel vm2, v9, v10;
	v8 =	vadd.f32 v8, v11;
	v10 =	vperm.xlane v21, v3  }
0x119: {  	v11 =	vperm.xlane v28, v3;
	v7 =	vsel vm3, v9, v7;
	v9 =	vadd.f32 v12, v15  }
0x11a: {  	v7 =	vsel vm4, v7, v8;
	v8 =	vadd.f32 v21, v10;
	v10 =	vperm.xlane v24, v3  }
0x11b: {  	v7 =	vsel vm5, v7, v9;
	v9 =	vadd.f32 v28, v11;
	v11 =	vperm.xlane v13, v3  }
0x11c: {  	v7 =	vsel vm6, v7, v8;
	v8 =	vadd.f32 v24, v10;
	v10 =	vperm.xlane v33, v3  }
0x11d: {  	v7 =	vsel vm7, v7, v9;
	v9 =	vadd.f32 v13, v11;
	v11 =	vperm.xlane v14, v3  }
0x11e: {  	v7 =	vsel vm8, v7, v8;
	v8 =	vadd.f32 v33, v10;
	v10 =	vperm.xlane v6, v3  }
0x11f: {  	v7 =	vsel vm9, v7, v9;
	v9 =	vadd.f32 v14, v11;
	v11 =	vperm.xlane v5, v3  }
0x120: {  	v7 =	vsel vm10, v7, v8;
	v6 =	vadd.f32 v6, v10;
	v8 =	vperm.xlane v4, v3  }
0x121: {  	v7 =	vsel vm11, v7, v9;
	v5 =	vadd.f32 v5, v11  }
0x122: {  	v6 =	vsel vm12, v7, v6;
	v4 =	vadd.f32 v4, v8  }
0x123: {  	v5 =	vsel vm13, v6, v5  }
0x124: {  	s24 =	sadd.s32 $0x10, s24;
	v4 =	vsel vm14, v5, v4  }
0x125: {  	s25 =	sshra.s32 s26, $0x2;
	[tilespmem:s24+$0x0] =	vst v4  }
0x126: {  	v4 =	vld [tilespmem:s25+$0x5E0]  }
0x127: {  	v5 =	vld [tilespmem:s25+$0x45E0]  }
0x128: {  	v6 =	vld [tilespmem:s25+$0x5F0]  }
0x129: {  	v7 =	vld [tilespmem:s25+$0x45F0]  }
0x12a: {  	v8 =	vld [tilespmem:s25+$0x5C0]  }
0x12b: {  	v9 =	vld [tilespmem:s25+$0x45C0]  }
0x12c: {  	v10 =	vld [tilespmem:s25+$0x5D0]  }
0x12d: {  	v11 =	vld [tilespmem:s25+$0x45D0]  }
0x12e: {  	v12 =	vld [tilespmem:s25+$0x5A0]  }
0x12f: {  	v13 =	vld [tilespmem:s25+$0x45A0]  }
0x130: {  	v14 =	vld [tilespmem:s25+$0x5B0]  }
0x131: {  	v15 =	vld [tilespmem:s25+$0x45B0]  }
0x132: {  	v16 =	vld [tilespmem:s25+$0x580]  }
0x133: {  	v17 =	vld [tilespmem:s25+$0x4580]  }
0x134: {  	v18 =	vld [tilespmem:s25+$0x590]  }
0x135: {  	v19 =	vld [tilespmem:s25+$0x4590]  }
0x136: {  	v20 =	vld [tilespmem:s25+$0x560]  }
0x137: {  	v21 =	vld [tilespmem:s25+$0x4560]  }
0x138: {  	v22 =	vld [tilespmem:s25+$0x570]  }
0x139: {  	v23 =	vld [tilespmem:s25+$0x4570]  }
0x13a: {  	v24 =	vld [tilespmem:s25+$0x540]  }
0x13b: {  	v25 =	vld [tilespmem:s25+$0x4540]  }
0x13c: {  	v26 =	vld [tilespmem:s25+$0x550]  }
0x13d: {  	v27 =	vld [tilespmem:s25+$0x4550]  }
0x13e: {  	v28 =	vld [tilespmem:s25+$0x520]  }
0x13f: {  	v29 =	vld [tilespmem:s25+$0x4520]  }
0x140: {  	v30 =	vld [tilespmem:s25+$0x530]  }
0x141: {  	v31 =	vld [tilespmem:s25+$0x4530]  }
0x142: {  	v32 =	vld [tilespmem:s25+$0x500]  }
0x143: {  	v4 =	vmul.f32 v5, v4;
	v5 =	vmul.f32 v7, v6;
	v33 =	vld [tilespmem:s25+$0x4500]  }
0x144: {  	v6 =	vmul.f32 v9, v8;
	v7 =	vmul.f32 v11, v10;
	v34 =	vld [tilespmem:s25+$0x510]  }
0x145: {  	v8 =	vmul.f32 v13, v12;
	v9 =	vmul.f32 v15, v14;
	v35 =	vld [tilespmem:s25+$0x4510]  }
0x146: {  	v10 =	vmul.f32 v17, v16;
	v11 =	vmul.f32 v19, v18;
	v36 =	vld [tilespmem:s25+$0x4E0]  }
0x147: {  	v4 =	vadd.f32 v5, v4;
	v6 =	vadd.f32 v7, v6;
	v18 =	vld [tilespmem:s25+$0x44E0]  }
0x148: {  	v7 =	vadd.f32 v9, v8;
	v5 =	vadd.f32 v11, v10;
	v37 =	vld [tilespmem:s25+$0x4F0]  }
0x149: {  	v8 =	vperm.xlane v6, v0;
	v9 =	vperm.xlane v4, v0;
	v38 =	vld [tilespmem:s25+$0x44F0]  }
0x14a: {  	v11 =	vperm.xlane v7, v0;
	v10 =	vperm.xlane v5, v0;
	v39 =	vld [tilespmem:s25+$0x4C0]  }
0x14b: {  	v6 =	vadd.f32 v6, v8;
	v4 =	vadd.f32 v4, v9;
	v40 =	vld [tilespmem:s25+$0x44C0]  }
0x14c: {  	v7 =	vadd.f32 v7, v11;
	v5 =	vadd.f32 v5, v10;
	v41 =	vld [tilespmem:s25+$0x4D0]  }
0x14d: {  	v8 =	vperm.xlane v6, v1;
	v9 =	vperm.xlane v4, v1;
	v42 =	vld [tilespmem:s25+$0x44D0]  }
0x14e: {  	v15 =	vperm.xlane v7, v1;
	v13 =	vperm.xlane v5, v1;
	v10 =	vld [tilespmem:s25+$0x4A0]  }
0x14f: {  	v6 =	vadd.f32 v6, v8;
	v4 =	vadd.f32 v4, v9;
	v12 =	vld [tilespmem:s25+$0x44A0]  }
0x150: {  	v15 =	vadd.f32 v7, v15;
	v14 =	vadd.f32 v5, v13;
	v11 =	vld [tilespmem:s25+$0x4B0]  }
0x151: {  	v9 =	vperm.xlane v4, v2;
	v5 =	vperm.xlane v6, v2;
	v13 =	vld [tilespmem:s25+$0x44B0]  }
0x152: {  	v19 =	vperm.xlane v15, v2;
	v16 =	vperm.xlane v14, v2;
	v7 =	vld [tilespmem:s25+$0x480]  }
0x153: {  	v20 =	vmul.f32 v21, v20;
	v21 =	vmul.f32 v23, v22;
	v4 =	vadd.f32 v4, v9;
	v8 =	vld [tilespmem:s25+$0x4480]  }
0x154: {  	v22 =	vmul.f32 v25, v24;
	v23 =	vmul.f32 v27, v26;
	v5 =	vadd.f32 v6, v5;
	v9 =	vld [tilespmem:s25+$0x490]  }
0x155: {  	v24 =	vmul.f32 v29, v28;
	v25 =	vmul.f32 v31, v30;
	v6 =	vadd.f32 v15, v19;
	v17 =	vld [tilespmem:s25+$0x460]  }
0x156: {  	v28 =	vadd.f32 v21, v20;
	v26 =	vmul.f32 v33, v32;
	v27 =	vmul.f32 v35, v34;
	v19 =	vld [tilespmem:s25+$0x4460]  }
0x157: {  	v30 =	vadd.f32 v23, v22;
	v21 =	vmul.f32 v18, v36;
	v29 =	vmul.f32 v38, v37;
	v15 =	vld [tilespmem:s25+$0x470]  }
0x158: {  	v24 =	vadd.f32 v25, v24;
	v22 =	vmul.f32 v40, v39;
	v23 =	vmul.f32 v42, v41;
	v18 =	vld [tilespmem:s25+$0x440]  }
0x159: {  	v26 =	vadd.f32 v27, v26;
	v27 =	vperm.xlane v28, v0;
	v25 =	vadd.f32 v29, v21;
	v20 =	vld [tilespmem:s25+$0x4440]  }
0x15a: {  	v32 =	vperm.xlane v30, v0;
	v31 =	vperm.xlane v24, v0;
	v29 =	vadd.f32 v23, v22;
	v21 =	vld [tilespmem:s25+$0x450]  }
0x15b: {  	v34 =	vperm.xlane v26, v0;
	v27 =	vadd.f32 v28, v27;
	v33 =	vperm.xlane v25, v0;
	v22 =	vld [tilespmem:s25+$0x4400]  }
0x15c: {  	v30 =	vadd.f32 v30, v32;
	v31 =	vadd.f32 v24, v31;
	v28 =	vperm.xlane v29, v0;
	v23 =	vld [tilespmem:s25+$0x400]  }
.Ltmp0:
0x15d: {  	v37 =	vadd.f32 v26, v34;
	v32 =	vperm.xlane v27, v1;
	v35 =	vadd.f32 v25, v33;
	v24 =	vld [tilespmem:s25+$0x410];
	(pc) =	sbr.rel @p0 .LBB2_2-.Ltmp0, $4  }
0x15e: {  	v38 =	vperm.xlane v30, v1;
	v34 =	vadd.f32 v29, v28;
	v29 =	vperm.xlane v31, v1;
	v25 =	vld [tilespmem:s25+$0x4410]  }
0x15f: {  	v40 =	vperm.xlane v37, v1;
	v33 =	vadd.f32 v27, v32;
	v39 =	vperm.xlane v35, v1;
	v26 =	vld [tilespmem:s25+$0x420]  }
0x160: {  	v32 =	vadd.f32 v30, v38;
	v36 =	vperm.xlane v34, v1;
	v29 =	vadd.f32 v31, v29;
	v28 =	vld [tilespmem:s25+$0x4420]  }
0x161: {  	s26 =	sadd.s32 $0x800, s26;
	v27 =	vadd.f32 v35, v39;
	v35 =	vperm.xlane v33, v2;
	v31 =	vadd.f32 v37, v40;
	v30 =	vld [tilespmem:s25+$0x430]  }
0x162: {  	v49 =	vperm.xlane v29, v2;
	v38 =	vperm.xlane v32, v2  }
0x163: {  	v37 =	vld [tilespmem:s25+$0x4430];
	v10 =	vmul.f32 v12, v10;
	v17 =	vmul.f32 v19, v17  }
0x164: {  	v39 =	vld [tilespmem:s25+$0x4450];
	v11 =	vmul.f32 v13, v11;
	v22 =	vmul.f32 v22, v23  }
0x165: {  	v34 =	vadd.f32 v34, v36;
	v50 =	vld [tilespmem:s25+$0x4470];
	v18 =	vmul.f32 v20, v18;
	v7 =	vmul.f32 v8, v7  }
0x166: {  	v14 =	vadd.f32 v14, v16;
	v52 =	vld [tilespmem:s25+$0x4490];
	v40 =	vperm.xlane v27, v2;
	v41 =	vperm.xlane v31, v2  }
0x167: {  	v33 =	vadd.f32 v33, v35;
	v53 =	vmul.f32 v25, v24;
	v51 =	vperm.xlane v34, v2  }
0x168: {  	v13 =	vadd.f32 v32, v38;
	v54 =	vmul.f32 v28, v26;
	v55 =	vmul.f32 v37, v30  }
0x169: {  	v24 =	vadd.f32 v29, v49;
	v56 =	vadd.f32 v31, v41;
	v57 =	vmul.f32 v39, v21  }
0x16a: {  	v22 =	vadd.f32 v53, v22;
	v15 =	vmul.f32 v50, v15;
	v59 =	vadd.f32 v55, v54  }
0x16b: {  	v58 =	vadd.f32 v27, v40;
	v61 =	vmul.f32 v52, v9;
	v60 =	vadd.f32 v57, v18  }
0x16c: {  	v62 =	vperm.xlane v22, v0;
	v15 =	vadd.f32 v15, v17;
	v63 =	vperm.xlane v59, v0  }
0x16d: {  	v26 =	vadd.f32 v11, v10;
	v7 =	vadd.f32 v61, v7;
	v25 =	vperm.xlane v60, v0  }
0x16e: {  	v9 =	vadd.f32 v22, v62;
	v29 =	vperm.xlane v15, v0;
	v27 =	vadd.f32 v59, v63  }
0x16f: {  	v31 =	vperm.xlane v26, v0;
	v30 =	vperm.xlane v7, v0;
	v16 =	vadd.f32 v60, v25  }
0x170: {  	v32 =	vperm.xlane v9, v1;
	v11 =	vadd.f32 v15, v29;
	v35 =	vperm.xlane v27, v1  }
0x171: {  	v8 =	vadd.f32 v26, v31;
	v7 =	vadd.f32 v7, v30;
	v36 =	vperm.xlane v16, v1  }
0x172: {  	v9 =	vadd.f32 v9, v32;
	v37 =	vperm.xlane v11, v1;
	v10 =	vadd.f32 v27, v35  }
0x173: {  	v18 =	vperm.xlane v8, v1;
	v38 =	vperm.xlane v7, v1;
	v15 =	vadd.f32 v16, v36  }
0x174: {  	v19 =	vperm.xlane v9, v2;
	v11 =	vadd.f32 v11, v37;
	v20 =	vperm.xlane v10, v2  }
0x175: {  	v8 =	vadd.f32 v8, v18;
	v7 =	vadd.f32 v7, v38;
	v39 =	vperm.xlane v15, v2  }
0x176: {  	v9 =	vadd.f32 v9, v19;
	v40 =	vperm.xlane v11, v2;
	v10 =	vadd.f32 v10, v20  }
0x177: {  	v18 =	vperm.xlane v8, v2;
	v41 =	vperm.xlane v7, v2;
	v15 =	vadd.f32 v15, v39  }
0x178: {  	v19 =	vperm.xlane v9, v3;
	v11 =	vadd.f32 v11, v40;
	v20 =	vperm.xlane v10, v3  }
0x179: {  	v8 =	vadd.f32 v8, v18;
	v7 =	vadd.f32 v7, v41;
	v42 =	vperm.xlane v15, v3  }
0x17a: {  	v9 =	vadd.f32 v9, v19;
	v43 =	vperm.xlane v11, v3;
	v10 =	vadd.f32 v10, v20  }
0x17b: {  	v12 =	vadd.f32 v34, v51;
	v44 =	vperm.xlane v7, v3;
	v15 =	vadd.f32 v15, v42  }
0x17c: {  	v46 =	vperm.xlane v8, v3;
	v45 =	vadd.f32 v11, v43;
	v9 =	vsel vm0, v9, v10  }
0x17d: {  	v47 =	vperm.xlane v12, v3;
	v7 =	vadd.f32 v7, v44;
	v9 =	vsel vm1, v9, v15  }
0x17e: {  	v48 =	vperm.xlane v58, v3;
	v8 =	vadd.f32 v8, v46;
	v9 =	vsel vm2, v9, v45  }
0x17f: {  	v50 =	vperm.xlane v56, v3;
	v49 =	vadd.f32 v12, v47;
	v7 =	vsel vm3, v9, v7  }
0x180: {  	v52 =	vperm.xlane v24, v3;
	v51 =	vadd.f32 v58, v48;
	v7 =	vsel vm4, v7, v8  }
0x181: {  	v53 =	vadd.f32 v56, v50;
	v54 =	vperm.xlane v13, v3;
	v7 =	vsel vm5, v7, v49  }
0x182: {  	v55 =	vadd.f32 v24, v52;
	v56 =	vperm.xlane v33, v3;
	v7 =	vsel vm6, v7, v51  }
0x183: {  	v58 =	vperm.xlane v14, v3;
	v57 =	vadd.f32 v13, v54;
	v7 =	vsel vm7, v7, v53  }
0x184: {  	v59 =	vadd.f32 v33, v56;
	v60 =	vperm.xlane v6, v3;
	v7 =	vsel vm8, v7, v55  }
0x185: {  	v62 =	vperm.xlane v5, v3;
	v61 =	vadd.f32 v14, v58;
	v7 =	vsel vm9, v7, v57  }
0x186: {  	v63 =	vperm.xlane v4, v3;
	v6 =	vadd.f32 v6, v60;
	v7 =	vsel vm10, v7, v59  }
0x187: {  	v5 =	vadd.f32 v5, v62;
	v7 =	vsel vm11, v7, v61  }
0x188: {  	v4 =	vadd.f32 v4, v63;
	v6 =	vsel vm12, v7, v6  }
0x189: {  	s23 =	sadd.s32 $0x1, s23;
	v5 =	vsel vm13, v6, v5  }
0x18a: {  	s24 =	sadd.s32 $0x10, s24;
	p0 =	sne.s32 s23, s14;
	v4 =	vsel vm14, v5, v4  }
.Ltmp1:
0x18b: {  	[tilespmem:s24+$0x0] =	vst v4;
	(pc) =	sbr.rel @p0 .LBB2_1-.Ltmp1, $4  }
0x18c: {  	[hbm4b:s13+s1] =	stream.linear.scatter [tilespmem:s2], [sflag:$0x2], $0x200, $0x38;
	[tilespmem:$0x8600] =	vst v63  }
0x18d: {  	_ =	swait.ge [sflag:s15], $0x200  }
0x18e: {  	[sflag:s15] =	ssyncset.done $0x0  }
0x18f: {  	[sflag:s15] =	ssyncadd.s32 $0xFFFFFE00  }
0x190: {  	_ =	sfence.sel $0x180000  }
0x191: {  	[bflag:$0x0] =	sbarrier.arrive $0xFFFF  }
0x192: {  	_ =	strace $0x90000047  }
0x193: {  	s0 =	stileid.u32;
	[bflag:$0x2] =	sbarrier.arrive $0xFFFF  }
0x194: {  	p0 =	sne.s32 s0, $0x0;
	s0 =	rddreg [dreg:$0x4]  }
0x195: {  	s0 =	sadd.s32 @!p0 $0x100000, s0  }
0x196: {  	[sflag:s0] =	ssyncadd.tile.s32 @!p0 $0x1;
	_ =	shalt  }
.Lfunc_end2:
_tile_overlayer_lowered:
.L_overlay_start_2:
0x197: {  	(tag) =	ssettag $0x2  }
0x198: {  	s0 =	rddreg [dreg:$0x0];
	s2 =	stileid.u32  }
0x199: {  	s1 =	rddreg [dreg:$0x1];
	p0 =	sne.s32 s2, $0x0  }
0x19a: {  	s3 =	rddreg [dreg:$0x2];
	[bflag:$0x3] =	sbarrier.arrive $0xFFFF;
	s2 =	simm.s32 @!p0 $0x1C02  }
0x19b: {  	[timem:s3], [sflag:s2] =	dma.local @!p0 [hbm:s0], s1  }
0x19c: {  	s0 =	simm.s32 @!p0 $0x2  }
0x19d: {  	_ =	swait.ge @!p0 [sflag:s0], s1  }
0x19e: {  	s1 =	ssub.s32 @!p0 $0x0, s1;
	[sflag:s0] =	ssyncset.done @!p0 $0x0  }
0x19f: {  	[sflag:s0] =	ssyncadd.s32 @!p0 s1  }
0x1a0: {  	[bflag:$0x3] =	sbarrier.arrive $0xFFFF  }
0x1a1: {  	_ =	shalt  }

</sc_bundles>
